<compile_context>
chip_gen: v7x
topology: tpu7x:2x2x1
jax: 0.10.2.dev20260603
libtpu: 0.0.44.dev20260713+nightly
codegen_flags: <defaults>
</compile_context>

<pallas_src>
import dataclasses
import functools

import jax
import jax.numpy as jnp
from jax.experimental import pallas as pl
from jax.experimental.pallas import tpu as pltpu
from jax.experimental.pallas import tpu_sc as plsc

B, D, H, P, KNB = 4, 768, 12, 576, 64
S = P + 1
SP = 640
HD = D // H
MLP_DIM = 3072
NWORK = 32
ROWS_PER_W = SP // NWORK


def _mask_from_routes(routes):
    mesh = plsc.VectorSubcoreMesh(core_axis_name="c", subcore_axis_name="s")
    CHUNK = ROWS_PER_W * SP
    RWIN = ROWS_PER_W

    cp = pltpu.CompilerParams()
    if "needs_layout_passes" in pltpu.CompilerParams.__dataclass_fields__:
        cp = dataclasses.replace(cp, needs_layout_passes=False)

    @functools.partial(
        pl.kernel,
        out_type=jax.ShapeDtypeStruct((SP * SP,), jnp.float32),
        mesh=mesh,
        scratch_types=[
            pltpu.VMEM((CHUNK,), jnp.float32),
            pltpu.VMEM((RWIN * KNB,), jnp.int32),
        ],
        compiler_params=cp,
    )
    def mask_kernel(routes_hbm, mask_hbm, buf, routes_v):
        wid = jax.lax.axis_index("s") * 2 + jax.lax.axis_index("c")
        base = wid * ROWS_PER_W
        p_lo = jnp.minimum(jnp.maximum(base - 1, 0), P - RWIN)

        @pl.when(base < S)
        def _():
            pltpu.sync_copy(routes_hbm.at[pl.ds(p_lo * KNB, RWIN * KNB)],
                            routes_v)

        zeros16 = jnp.zeros((16,), jnp.float32)
        ones16 = jnp.ones((16,), jnp.float32)
        lane = jax.lax.iota(jnp.int32, 16)
        first = jnp.where(lane < 1, 1.0, 0.0).astype(jnp.float32)

        @pl.loop(0, CHUNK, step=16)
        def _(c):
            buf[pl.ds(c, 16)] = zeros16

        @pl.loop(0, ROWS_PER_W)
        def _(r):
            row = base + r

            @pl.when(row == 0)
            def _():
                @pl.loop(0, S - 1, step=16)
                def _(c):
                    buf[pl.ds(c, 16)] = ones16

                buf[pl.ds(S - 1, 16)] = first

            @pl.when(jnp.logical_and(row >= 1, row < S))
            def _():
                off = (row - 1 - p_lo) * KNB
                rowbase = r * SP + 1
                for jb in range(KNB // 16):
                    idx = routes_v[pl.ds(off + jb * 16, 16)]
                    plsc.store_scatter(buf, [rowbase + idx], ones16)

        pltpu.sync_copy(buf, mask_hbm.at[pl.ds(base * SP, CHUNK)])

    return mask_kernel(routes.reshape(P * KNB)).reshape(SP, SP)


def _ln_qkv_body(x_ref, g_ref, b_ref, w_ref, bias_ref,
                 pwf_ref, w1f_ref, w2f_ref,
                 q_ref, k_ref, v_ref, pwb_ref, w1b_ref, w2b_ref):
    pwb_ref[...] = pwf_ref[...].astype(jnp.bfloat16)
    w1b_ref[...] = w1f_ref[...].astype(jnp.bfloat16)
    w2b_ref[...] = w2f_ref[...].astype(jnp.bfloat16)
    rb = x_ref.shape[1]
    rows = jax.lax.broadcasted_iota(jnp.int32, (rb, 1), 0)
    xb = jnp.where(rows < S, x_ref[0], 0.0)
    m = jnp.mean(xb, axis=-1, keepdims=True)
    v = jnp.mean((xb - m) ** 2, axis=-1, keepdims=True)
    xn = (xb - m) * jax.lax.rsqrt(v + 1e-5) * g_ref[...] + b_ref[...]
    res = (
        jnp.dot(xn.astype(jnp.bfloat16), w_ref[...].astype(jnp.bfloat16),
                preferred_element_type=jnp.float32)
        + bias_ref[...]
    )
    scale = HD ** -0.5
    col = jax.lax.broadcasted_iota(jnp.int32, (rb, HD), 1)
    onescol = jnp.where(col == 0, 1.0, 0.0).astype(jnp.bfloat16)
    for h in range(H):
        q_ref[0, h] = (res[:, h * HD:(h + 1) * HD] * scale).astype(jnp.bfloat16)
        k_ref[0, h] = res[:, D + h * HD:D + (h + 1) * HD].astype(jnp.bfloat16)
        vs = res[:, 2 * D + h * HD:2 * D + (h + 1) * HD].astype(jnp.bfloat16)
        v_ref[0, h] = jnp.concatenate([vs, onescol], axis=1)


def _attn_mlp_body(q_ref, k_ref, v_ref, m_ref, x_ref, pw_ref, pb_ref,
                   g_ref, b_ref, w1_ref, b1_ref, w2_ref, b2_ref, o_ref):
    mk = m_ref[...]
    heads = []
    for h in range(H):
        s = jax.lax.dot_general(
            q_ref[0, h], k_ref[0, h], (((1,), (1,)), ((), ())),
            preferred_element_type=jnp.float32,
        )
        e = jnp.exp(s.astype(jnp.bfloat16)) * mk
        av = jnp.dot(e, v_ref[0, h], preferred_element_type=jnp.float32)
        heads.append((av[:, :HD] / av[:, HD:HD + 1]).astype(jnp.bfloat16))
    a = jnp.concatenate(heads, axis=1)
    proj = jnp.dot(a, pw_ref[...],
                   preferred_element_type=jnp.float32) + pb_ref[...]
    x1 = x_ref[0] + proj
    m = jnp.mean(x1, axis=-1, keepdims=True)
    v = jnp.mean((x1 - m) ** 2, axis=-1, keepdims=True)
    xn = (x1 - m) * jax.lax.rsqrt(v + 1e-5) * g_ref[...] + b_ref[...]
    hmid = jnp.dot(xn.astype(jnp.bfloat16), w1_ref[...],
                   preferred_element_type=jnp.float32) + b1_ref[...]
    hmid = hmid * (0.5 * jax.lax.erf(hmid * (2.0 ** -0.5)) + 0.5)
    y = jnp.dot(hmid.astype(jnp.bfloat16), w2_ref[...],
                preferred_element_type=jnp.float32) + b2_ref[...]
    o_ref[0] = x1 + y


def kernel(x, qkv_w, qkv_b, proj_w, proj_b, n1_g, n1_b, n2_g, n2_b,
           mlp_w1, mlp_b1, mlp_w2, mlp_b2, routes):
    par1 = pltpu.CompilerParams(dimension_semantics=("parallel",))

    mask = _mask_from_routes(routes).astype(jnp.bfloat16)

    hm_spec = pl.BlockSpec((1, H, SP, HD), lambda b: (b, 0, 0, 0))
    hm_type = jax.ShapeDtypeStruct((B, H, SP, HD), jnp.bfloat16)
    v_spec = pl.BlockSpec((1, H, SP, 2 * HD), lambda b: (b, 0, 0, 0))
    v_type = jax.ShapeDtypeStruct((B, H, SP, 2 * HD), jnp.bfloat16)
    pw_blk, w1_blk, w2_blk = D // B, D // B, MLP_DIM // B
    q_hm, k_hm, v_hm, proj_wb, mlp_w1b, mlp_w2b = pl.pallas_call(
        _ln_qkv_body,
        grid=(B,),
        in_specs=[
            pl.BlockSpec((1, SP, D), lambda b: (b, 0, 0)),
            pl.BlockSpec((1, D), lambda b: (0, 0)),
            pl.BlockSpec((1, D), lambda b: (0, 0)),
            pl.BlockSpec((D, 3 * D), lambda b: (0, 0)),
            pl.BlockSpec((1, 3 * D), lambda b: (0, 0)),
            pl.BlockSpec((pw_blk, D), lambda b: (b, 0)),
            pl.BlockSpec((w1_blk, MLP_DIM), lambda b: (b, 0)),
            pl.BlockSpec((w2_blk, D), lambda b: (b, 0)),
        ],
        out_specs=[
            hm_spec, hm_spec, v_spec,
            pl.BlockSpec((pw_blk, D), lambda b: (b, 0)),
            pl.BlockSpec((w1_blk, MLP_DIM), lambda b: (b, 0)),
            pl.BlockSpec((w2_blk, D), lambda b: (b, 0)),
        ],
        out_shape=[
            hm_type, hm_type, v_type,
            jax.ShapeDtypeStruct((D, D), jnp.bfloat16),
            jax.ShapeDtypeStruct((D, MLP_DIM), jnp.bfloat16),
            jax.ShapeDtypeStruct((MLP_DIM, D), jnp.bfloat16),
        ],
        compiler_params=par1,
    )(
        x,
        n1_g.reshape(1, D), n1_b.reshape(1, D),
        qkv_w, qkv_b.reshape(1, 3 * D),
        proj_w, mlp_w1, mlp_w2,
    )

    out = pl.pallas_call(
        _attn_mlp_body,
        grid=(B,),
        in_specs=[
            hm_spec,
            hm_spec,
            v_spec,
            pl.BlockSpec((SP, SP), lambda b: (0, 0)),
            pl.BlockSpec((1, SP, D), lambda b: (b, 0, 0)),
            pl.BlockSpec((D, D), lambda b: (0, 0)),
            pl.BlockSpec((1, D), lambda b: (0, 0)),
            pl.BlockSpec((1, D), lambda b: (0, 0)),
            pl.BlockSpec((1, D), lambda b: (0, 0)),
            pl.BlockSpec((D, MLP_DIM), lambda b: (0, 0)),
            pl.BlockSpec((1, MLP_DIM), lambda b: (0, 0)),
            pl.BlockSpec((MLP_DIM, D), lambda b: (0, 0)),
            pl.BlockSpec((1, D), lambda b: (0, 0)),
        ],
        out_specs=pl.BlockSpec((1, SP, D), lambda b: (b, 0, 0)),
        out_shape=jax.ShapeDtypeStruct((B, S, D), jnp.float32),
        compiler_params=par1,
    )(
        q_hm, k_hm, v_hm, mask, x,
        proj_wb, proj_b.reshape(1, D),
        n2_g.reshape(1, D), n2_b.reshape(1, D),
        mlp_w1b, mlp_b1.reshape(1, MLP_DIM),
        mlp_w2b, mlp_b2.reshape(1, D),
    )

    return out

# --- scband reference (transcript-rebuilt; emitter-appended) ---
"""Pipeline reference for scband-beans-attention-block-14010183320078 (READ-ONLY COPY).

The authoritative reference and input builder live on the scoring server;
editing this copy changes nothing except your own understanding.
"""

import jax, jax.numpy as jnp
import numpy as np

B, D, H, P, KNB = 4, 768, 12, 576, 64
S = P + 1
MLP_DIM = 3072


def _layernorm(x, g, b):
    m = jnp.mean(x, axis=-1, keepdims=True)
    v = jnp.var(x, axis=-1, keepdims=True)
    return (x - m) / jnp.sqrt(v + 1e-5) * g + b


def setup_inputs(seed: int = 0) -> dict:
    key = jax.random.key(seed)
    ks = jax.random.split(key, 12)
    x = jax.random.normal(ks[0], (B, S, D), dtype=jnp.float32)
    qkv_w = jax.random.normal(ks[1], (D, 3 * D), dtype=jnp.float32) * 0.02
    qkv_b = jnp.zeros((3 * D,), dtype=jnp.float32)
    proj_w = jax.random.normal(ks[2], (D, D), dtype=jnp.float32) * 0.02
    proj_b = jnp.zeros((D,), dtype=jnp.float32)
    n1_g = jnp.ones((D,), dtype=jnp.float32)
    n1_b = jnp.zeros((D,), dtype=jnp.float32)
    n2_g = jnp.ones((D,), dtype=jnp.float32)
    n2_b = jnp.zeros((D,), dtype=jnp.float32)
    mlp_w1 = jax.random.normal(ks[3], (D, MLP_DIM), dtype=jnp.float32) * 0.02
    mlp_b1 = jnp.zeros((MLP_DIM,), dtype=jnp.float32)
    mlp_w2 = jax.random.normal(ks[4], (MLP_DIM, D), dtype=jnp.float32) * 0.02
    mlp_b2 = jnp.zeros((D,), dtype=jnp.float32)
    routes = ((jnp.arange(P)[:, None] * 7919 + jnp.arange(KNB)[None, :] * 104729) % P).astype(jnp.int32)
    return {"x": x, "qkv_w": qkv_w, "qkv_b": qkv_b, "proj_w": proj_w, "proj_b": proj_b,
            "n1_g": n1_g, "n1_b": n1_b, "n2_g": n2_g, "n2_b": n2_b,
            "mlp_w1": mlp_w1, "mlp_b1": mlp_b1, "mlp_w2": mlp_w2, "mlp_b2": mlp_b2,
            "routes": routes}


def reference(x, qkv_w, qkv_b, proj_w, proj_b, n1_g, n1_b, n2_g, n2_b, mlp_w1, mlp_b1, mlp_w2, mlp_b2, routes):
    Bx, Sx, Dx = x.shape
    hd = Dx // H
    scale = hd ** (-0.5)
    x_norm = _layernorm(x, n1_g, n1_b)
    qkv = (x_norm @ qkv_w + qkv_b).reshape(Bx, Sx, 3, H, hd)
    qkv = qkv.transpose(2, 0, 3, 1, 4)
    Q, K, V = qkv[0], qkv[1], qkv[2]
    # cls token: dense attention over all S keys
    Q_cls = Q[:, :, :1, :]
    scores_cls = jnp.einsum('bhqd,bhkd->bhqk', Q_cls, K) * scale
    attn_cls = jax.nn.softmax(scores_cls, axis=-1)
    out_cls = jnp.einsum('bhqk,bhkd->bhqd', attn_cls, V)
    # patch tokens: sparse routed attention over k gathered keys
    Q_patches = Q[:, :, 1:, :]
    routes_shifted = routes + 1  # [P, k]
    K_gathered = K[:, :, routes_shifted, :]  # [B, H, P, k, hd]
    V_gathered = V[:, :, routes_shifted, :]
    scores_patches = jnp.einsum('bhpd,bhpkd->bhpk', Q_patches, K_gathered) * scale
    attn_patches = jax.nn.softmax(scores_patches, axis=-1)
    out_patches = jnp.einsum('bhpk,bhpkd->bhpd', attn_patches, V_gathered)
    out = jnp.concatenate([out_cls, out_patches], axis=2)
    out = out.transpose(0, 2, 1, 3).reshape(Bx, Sx, Dx)
    out = out @ proj_w + proj_b
    x = x + out
    x_norm2 = _layernorm(x, n2_g, n2_b)
    hmid = jax.nn.gelu(x_norm2 @ mlp_w1 + mlp_b1, approximate=False)
    hmid = hmid @ mlp_w2 + mlp_b2
    return x + hmid

if __name__ == "__main__":
    import jax
    _d = setup_inputs()
    print(jax.jit(kernel)(*tuple(_d.values())))

</pallas_src>

<mosaic_0001>
#map = affine_map<(d0, d1) -> (0)>
module attributes {stable_mosaic.version = 14 : i64} {
  func.func @mask_kernel(%arg0: i32, %arg1: i32, %arg2: memref<36864xi32, #tpu.memory_space<hbm>>, %arg3: memref<409600xf32, #tpu.memory_space<hbm>>, %arg4: memref<12800xf32, #tpu.memory_space<vmem>>, %arg5: memref<1280xi32, #tpu.memory_space<vmem>>) attributes {dimension_semantics = [#tpu.dimension_semantics<core_parallel>, #tpu.dimension_semantics<subcore_parallel>], iteration_bounds = array<i64: 2, 16>, scalar_prefetch = 0 : i64, scratch_operands = 2 : i64, tpu.core_type = #tpu.core_type<sc_vector_subcore>, window_params = [{transform_indices = #map}, {transform_indices = #map}]} {
    %mul3A = arith.constant 2 : i32
    %mul3A_0 = arith.muli %arg1, %mul3A : i32
    %add3A = arith.addi %mul3A_0, %arg0 : i32
    %mul3A_1 = arith.constant 20 : i32
    %mul3A_2 = arith.muli %add3A, %mul3A_1 : i32
    %sub3A = arith.constant 1 : i32
    %sub3A_3 = arith.subi %mul3A_2, %sub3A : i32
    %max3A = arith.constant 0 : i32
    %max3A_4 = arith.maxsi %sub3A_3, %max3A : i32
    %min3A = arith.constant 556 : i32
    %min3A_5 = arith.minsi %max3A_4, %min3A : i32
    %lt3A = arith.constant 577 : i32
    %lt3A_6 = arith.cmpi slt, %mul3A_2, %lt3A : i32
    %convert_element_type3A = arith.extui %lt3A_6 : i1 to i32
    %cond3A = arith.constant 0 : i32
    %cond3A_7 = arith.cmpi ne, %convert_element_type3A, %cond3A : i32
    scf.if %cond3A_7 {
      %mul3A_28 = arith.constant 64 : i32
      %mul3A_29 = arith.muli %min3A_5, %mul3A_28 : i32
      "tpu.region"() ({
        %run_scoped3A = tpu.sem_alloc : memref<!tpu.dma_semaphore, #tpu.memory_space<semaphore_mem>>
        %dma_start3A = tpu.memref_slice %arg2[%mul3A_29] : memref<36864xi32, #tpu.memory_space<hbm>> -> memref<1280xi32, #tpu.memory_space<hbm>>
        %dma_start3A_30 = tpu.memref_slice %arg2[%mul3A_29] : memref<36864xi32, #tpu.memory_space<hbm>> -> memref<1280xi32, #tpu.memory_space<hbm>>
        tpu.enqueue_dma source(%dma_start3A_30 : memref<1280xi32, #tpu.memory_space<hbm>>) target(%arg5 : memref<1280xi32, #tpu.memory_space<vmem>>) target_semaphore(%run_scoped3A : memref<!tpu.dma_semaphore, #tpu.memory_space<semaphore_mem>>)
        %dma_wait3A = tpu.memref_slice %arg2[%mul3A_29] : memref<36864xi32, #tpu.memory_space<hbm>> -> memref<1280xi32, #tpu.memory_space<hbm>>
        %dma_wait3A_31 = tpu.memref_slice %arg2[%mul3A_29] : memref<36864xi32, #tpu.memory_space<hbm>> -> memref<1280xi32, #tpu.memory_space<hbm>>
        tpu.wait_dma2 semaphore(%run_scoped3A : memref<!tpu.dma_semaphore, #tpu.memory_space<semaphore_mem>>) src(%dma_wait3A_31 : memref<1280xi32, #tpu.memory_space<hbm>>) dst(%arg5 : memref<1280xi32, #tpu.memory_space<vmem>>)
        tpu.yield
      }) : () -> ()
    } else {
    }
    %broadcast_in_dim3A = arith.constant 0.000000e+00 : f32
    %broadcast_in_dim3A_8 = vector.broadcast %broadcast_in_dim3A : f32 to vector<16xf32>
    %broadcast_in_dim3A_9 = arith.constant 1.000000e+00 : f32
    %broadcast_in_dim3A_10 = vector.broadcast %broadcast_in_dim3A_9 : f32 to vector<16xf32>
    %iota3A = tpu.iota {dimensions = array<i32: 0>} : vector<16xi32>
    %lt3A_11 = arith.constant 1 : i32
    %lt3A_12 = vector.broadcast %lt3A_11 : i32 to vector<16xi32>
    %lt3A_13 = arith.cmpi slt, %iota3A, %lt3A_12 : vector<16xi32>
    %jit3A = arith.constant 1.000000e+00 : f32
    %jit3A_14 = arith.constant 0.000000e+00 : f32
    %broadcast_in_dim3A_15 = vector.broadcast %jit3A : f32 to vector<16xf32>
    %broadcast_in_dim3A_16 = vector.broadcast %jit3A_14 : f32 to vector<16xf32>
    %select_n3A = arith.select %lt3A_13, %broadcast_in_dim3A_15, %broadcast_in_dim3A_16 : vector<16xi1>, vector<16xf32>
    %scan3A = arith.constant 0 : i32
    %scan3A_17 = arith.constant 800 : i32
    %scan3A_18 = arith.addi %scan3A, %scan3A_17 : i32
    %scan3A_19 = arith.constant 1 : i32
    scf.for %scan3A_28 = %scan3A to %scan3A_18 step %scan3A_19  : i32 {
      %mul3A_29 = arith.constant 16 : i32
      %mul3A_30 = arith.muli %scan3A_28, %mul3A_29 : i32
      %add3A_31 = arith.constant 0 : i32
      %add3A_32 = arith.addi %add3A_31, %mul3A_30 : i32
      %swap3A = arith.index_cast %add3A_32 : i32 to index
      %swap3A_33 = tpu.vector_load %arg4[%swap3A] {strides = array<i32>} : memref<12800xf32, #tpu.memory_space<vmem>>, vector<16xf32>,
      tpu.vector_store %arg4[%swap3A], %broadcast_in_dim3A_8 {strides = array<i32>} : memref<12800xf32, #tpu.memory_space<vmem>>, vector<16xf32>,
    }
    %scan3A_20 = arith.constant 800 : i32
    %scan3A_21 = arith.constant 0 : i32
    %scan3A_22 = arith.constant 20 : i32
    %scan3A_23 = arith.addi %scan3A_21, %scan3A_22 : i32
    %scan3A_24 = arith.constant 1 : i32
    scf.for %scan3A_28 = %scan3A_21 to %scan3A_23 step %scan3A_24  : i32 {
      %mul3A_29 = arith.constant 1 : i32
      %mul3A_30 = arith.muli %scan3A_28, %mul3A_29 : i32
      %add3A_31 = arith.constant 0 : i32
      %add3A_32 = arith.addi %add3A_31, %mul3A_30 : i32
      %add3A_33 = arith.addi %mul3A_2, %add3A_32 : i32
      %eq3A = arith.constant 0 : i32
      %eq3A_34 = arith.cmpi eq, %add3A_33, %eq3A : i32
      %convert_element_type3A_35 = arith.extui %eq3A_34 : i1 to i32
      %cond3A_36 = arith.constant 0 : i32
      %cond3A_37 = arith.cmpi ne, %convert_element_type3A_35, %cond3A_36 : i32
      scf.if %cond3A_37 {
        %scan3A_44 = arith.constant 0 : i32
        %scan3A_45 = arith.constant 36 : i32
        %scan3A_46 = arith.addi %scan3A_44, %scan3A_45 : i32
        %scan3A_47 = arith.constant 1 : i32
        scf.for %scan3A_50 = %scan3A_44 to %scan3A_46 step %scan3A_47  : i32 {
          %mul3A_51 = arith.constant 16 : i32
          %mul3A_52 = arith.muli %scan3A_50, %mul3A_51 : i32
          %add3A_53 = arith.constant 0 : i32
          %add3A_54 = arith.addi %add3A_53, %mul3A_52 : i32
          %swap3A_55 = arith.index_cast %add3A_54 : i32 to index
          %swap3A_56 = tpu.vector_load %arg4[%swap3A_55] {strides = array<i32>} : memref<12800xf32, #tpu.memory_space<vmem>>, vector<16xf32>,
          tpu.vector_store %arg4[%swap3A_55], %broadcast_in_dim3A_10 {strides = array<i32>} : memref<12800xf32, #tpu.memory_space<vmem>>, vector<16xf32>,
        }
        %scan3A_48 = arith.constant 36 : i32
        %swap3A = arith.constant 576 : index
        %swap3A_49 = tpu.vector_load %arg4[%swap3A] {strides = array<i32>} : memref<12800xf32, #tpu.memory_space<vmem>>, vector<16xf32>,
        tpu.vector_store %arg4[%swap3A], %select_n3A {strides = array<i32>} : memref<12800xf32, #tpu.memory_space<vmem>>, vector<16xf32>,
      } else {
      }
      %ge3A = arith.constant 1 : i32
      %ge3A_38 = arith.cmpi sge, %add3A_33, %ge3A : i32
      %lt3A_39 = arith.constant 577 : i32
      %lt3A_40 = arith.cmpi slt, %add3A_33, %lt3A_39 : i32
      %and3A = arith.andi %ge3A_38, %lt3A_40 : i1
      %convert_element_type3A_41 = arith.extui %and3A : i1 to i32
      %cond3A_42 = arith.constant 0 : i32
      %cond3A_43 = arith.cmpi ne, %convert_element_type3A_41, %cond3A_42 : i32
      scf.if %cond3A_43 {
        %sub3A_44 = arith.constant 1 : i32
        %sub3A_45 = arith.subi %add3A_33, %sub3A_44 : i32
        %sub3A_46 = arith.subi %sub3A_45, %min3A_5 : i32
        %mul3A_47 = arith.constant 64 : i32
        %mul3A_48 = arith.muli %sub3A_46, %mul3A_47 : i32
        %mul3A_49 = arith.constant 640 : i32
        %mul3A_50 = arith.muli %add3A_32, %mul3A_49 : i32
        %add3A_51 = arith.constant 1 : i32
        %add3A_52 = arith.addi %mul3A_50, %add3A_51 : i32
        %add3A_53 = arith.constant 0 : i32
        %add3A_54 = arith.addi %mul3A_48, %add3A_53 : i32
        %get3A = arith.index_cast %add3A_54 : i32 to index
        %get3A_55 = tpu.vector_load %arg5[%get3A] {strides = array<i32>} : memref<1280xi32, #tpu.memory_space<vmem>>, vector<16xi32>,
        %add3A_56 = vector.broadcast %add3A_52 : i32 to vector<16xi32>
        %add3A_57 = arith.addi %add3A_56, %get3A_55 : vector<16xi32>
        tpu.vector_store_idx %arg4[%add3A_57], %broadcast_in_dim3A_10 : memref<12800xf32, #tpu.memory_space<vmem>>[vector<16xi32>], vector<16xf32>,
        %add3A_58 = arith.constant 16 : i32
        %add3A_59 = arith.addi %mul3A_48, %add3A_58 : i32
        %get3A_60 = arith.index_cast %add3A_59 : i32 to index
        %get3A_61 = tpu.vector_load %arg5[%get3A_60] {strides = array<i32>} : memref<1280xi32, #tpu.memory_space<vmem>>, vector<16xi32>,
        %add3A_62 = vector.broadcast %add3A_52 : i32 to vector<16xi32>
        %add3A_63 = arith.addi %add3A_62, %get3A_61 : vector<16xi32>
        tpu.vector_store_idx %arg4[%add3A_63], %broadcast_in_dim3A_10 : memref<12800xf32, #tpu.memory_space<vmem>>[vector<16xi32>], vector<16xf32>,
        %add3A_64 = arith.constant 32 : i32
        %add3A_65 = arith.addi %mul3A_48, %add3A_64 : i32
        %get3A_66 = arith.index_cast %add3A_65 : i32 to index
        %get3A_67 = tpu.vector_load %arg5[%get3A_66] {strides = array<i32>} : memref<1280xi32, #tpu.memory_space<vmem>>, vector<16xi32>,
        %add3A_68 = vector.broadcast %add3A_52 : i32 to vector<16xi32>
        %add3A_69 = arith.addi %add3A_68, %get3A_67 : vector<16xi32>
        tpu.vector_store_idx %arg4[%add3A_69], %broadcast_in_dim3A_10 : memref<12800xf32, #tpu.memory_space<vmem>>[vector<16xi32>], vector<16xf32>,
        %add3A_70 = arith.constant 48 : i32
        %add3A_71 = arith.addi %mul3A_48, %add3A_70 : i32
        %get3A_72 = arith.index_cast %add3A_71 : i32 to index
        %get3A_73 = tpu.vector_load %arg5[%get3A_72] {strides = array<i32>} : memref<1280xi32, #tpu.memory_space<vmem>>, vector<16xi32>,
        %add3A_74 = vector.broadcast %add3A_52 : i32 to vector<16xi32>
        %add3A_75 = arith.addi %add3A_74, %get3A_73 : vector<16xi32>
        tpu.vector_store_idx %arg4[%add3A_75], %broadcast_in_dim3A_10 : memref<12800xf32, #tpu.memory_space<vmem>>[vector<16xi32>], vector<16xf32>,
      } else {
      }
    }
    %scan3A_25 = arith.constant 20 : i32
    %mul3A_26 = arith.constant 640 : i32
    %mul3A_27 = arith.muli %mul3A_2, %mul3A_26 : i32
    "tpu.region"() ({
      %run_scoped3A = tpu.sem_alloc : memref<!tpu.dma_semaphore, #tpu.memory_space<semaphore_mem>>
      %dma_start3A = tpu.memref_slice %arg3[%mul3A_27] : memref<409600xf32, #tpu.memory_space<hbm>> -> memref<12800xf32, #tpu.memory_space<hbm>>
      %dma_start3A_28 = tpu.memref_slice %arg3[%mul3A_27] : memref<409600xf32, #tpu.memory_space<hbm>> -> memref<12800xf32, #tpu.memory_space<hbm>>
      tpu.enqueue_dma source(%arg4 : memref<12800xf32, #tpu.memory_space<vmem>>) target(%dma_start3A_28 : memref<12800xf32, #tpu.memory_space<hbm>>) target_semaphore(%run_scoped3A : memref<!tpu.dma_semaphore, #tpu.memory_space<semaphore_mem>>)
      %dma_wait3A = tpu.memref_slice %arg3[%mul3A_27] : memref<409600xf32, #tpu.memory_space<hbm>> -> memref<12800xf32, #tpu.memory_space<hbm>>
      %dma_wait3A_29 = tpu.memref_slice %arg3[%mul3A_27] : memref<409600xf32, #tpu.memory_space<hbm>> -> memref<12800xf32, #tpu.memory_space<hbm>>
      tpu.wait_dma2 semaphore(%run_scoped3A : memref<!tpu.dma_semaphore, #tpu.memory_space<semaphore_mem>>) src(%arg4 : memref<12800xf32, #tpu.memory_space<vmem>>) dst(%dma_wait3A_29 : memref<12800xf32, #tpu.memory_space<hbm>>)
      tpu.yield
    }) : () -> ()
    return
  }
}

module attributes {stable_mosaic.version = 14 : i64} {
  func.func @_ln_qkv_body(%arg0: i32, %arg1: memref<1x640x768xf32, #tpu.memory_space<vmem>>, %arg2: memref<1x768xf32, #tpu.memory_space<vmem>>, %arg3: memref<1x768xf32, #tpu.memory_space<vmem>>, %arg4: memref<768x2304xf32, #tpu.memory_space<vmem>>, %arg5: memref<1x2304xf32, #tpu.memory_space<vmem>>, %arg6: memref<192x768xf32, #tpu.memory_space<vmem>>, %arg7: memref<192x3072xf32, #tpu.memory_space<vmem>>, %arg8: memref<768x768xf32, #tpu.memory_space<vmem>>, %arg9: memref<1x12x640x64xbf16, #tpu.memory_space<vmem>>, %arg10: memref<1x12x640x64xbf16, #tpu.memory_space<vmem>>, %arg11: memref<1x12x640x128xbf16, #tpu.memory_space<vmem>>, %arg12: memref<192x768xbf16, #tpu.memory_space<vmem>>, %arg13: memref<192x3072xbf16, #tpu.memory_space<vmem>>, %arg14: memref<768x768xbf16, #tpu.memory_space<vmem>>) attributes {dimension_semantics = [#tpu.dimension_semantics<parallel>], iteration_bounds = array<i64: 4>, scalar_prefetch = 0 : i64, scratch_operands = 0 : i64, tpu.core_type = #tpu.core_type<tc>, window_params = [{transform_indices = @transform_0, window_bounds = array<i64: 1, 640, 768>}, {pipeline_mode = #tpu.pipeline_mode<synchronous>, transform_indices = @transform_1, window_bounds = array<i64: 1, 768>}, {pipeline_mode = #tpu.pipeline_mode<synchronous>, transform_indices = @transform_2, window_bounds = array<i64: 1, 768>}, {pipeline_mode = #tpu.pipeline_mode<synchronous>, transform_indices = @transform_3, window_bounds = array<i64: 768, 2304>}, {pipeline_mode = #tpu.pipeline_mode<synchronous>, transform_indices = @transform_4, window_bounds = array<i64: 1, 2304>}, {transform_indices = @transform_5, window_bounds = array<i64: 192, 768>}, {transform_indices = @transform_6, window_bounds = array<i64: 192, 3072>}, {transform_indices = @transform_7, window_bounds = array<i64: 768, 768>}, {transform_indices = @transform_8, window_bounds = array<i64: 1, 12, 640, 64>}, {transform_indices = @transform_9, window_bounds = array<i64: 1, 12, 640, 64>}, {transform_indices = @transform_10, window_bounds = array<i64: 1, 12, 640, 128>}, {transform_indices = @transform_11, window_bounds = array<i64: 192, 768>}, {transform_indices = @transform_12, window_bounds = array<i64: 192, 3072>}, {transform_indices = @transform_13, window_bounds = array<i64: 768, 768>}]} {
    %get3A = arith.constant 0 : index
    %get3A_0 = arith.constant 0 : index
    %get3A_1 = vector.load %arg6[%get3A, %get3A_0] : memref<192x768xf32, #tpu.memory_space<vmem>>, vector<192x768xf32>
    %convert_element_type3A = arith.truncf %get3A_1 : vector<192x768xf32> to vector<192x768xbf16>
    %swap3A = arith.constant 0 : index
    %swap3A_2 = arith.constant 0 : index
    %swap3A_3 = vector.load %arg12[%swap3A, %swap3A_2] : memref<192x768xbf16, #tpu.memory_space<vmem>>, vector<192x768xbf16>
    tpu.vector_store %arg12[%swap3A, %swap3A_2], %convert_element_type3A {strides = array<i32>} : memref<192x768xbf16, #tpu.memory_space<vmem>>, vector<192x768xbf16>,
    %get3A_4 = arith.constant 0 : index
    %get3A_5 = arith.constant 0 : index
    %get3A_6 = vector.load %arg7[%get3A_4, %get3A_5] : memref<192x3072xf32, #tpu.memory_space<vmem>>, vector<192x3072xf32>
    %convert_element_type3A_7 = arith.truncf %get3A_6 : vector<192x3072xf32> to vector<192x3072xbf16>
    %swap3A_8 = arith.constant 0 : index
    %swap3A_9 = arith.constant 0 : index
    %swap3A_10 = vector.load %arg13[%swap3A_8, %swap3A_9] : memref<192x3072xbf16, #tpu.memory_space<vmem>>, vector<192x3072xbf16>
    tpu.vector_store %arg13[%swap3A_8, %swap3A_9], %convert_element_type3A_7 {strides = array<i32>} : memref<192x3072xbf16, #tpu.memory_space<vmem>>, vector<192x3072xbf16>,
    %get3A_11 = arith.constant 0 : index
    %get3A_12 = arith.constant 0 : index
    %get3A_13 = vector.load %arg8[%get3A_11, %get3A_12] : memref<768x768xf32, #tpu.memory_space<vmem>>, vector<768x768xf32>
    %convert_element_type3A_14 = arith.truncf %get3A_13 : vector<768x768xf32> to vector<768x768xbf16>
    %swap3A_15 = arith.constant 0 : index
    %swap3A_16 = arith.constant 0 : index
    %swap3A_17 = vector.load %arg14[%swap3A_15, %swap3A_16] : memref<768x768xbf16, #tpu.memory_space<vmem>>, vector<768x768xbf16>
    tpu.vector_store %arg14[%swap3A_15, %swap3A_16], %convert_element_type3A_14 {strides = array<i32>} : memref<768x768xbf16, #tpu.memory_space<vmem>>, vector<768x768xbf16>,
    %iota3A = tpu.iota {dimensions = array<i32: 0>} : vector<640x1xi32>
    %lt3A = arith.constant 577 : i32
    %lt3A_18 = vector.broadcast %lt3A : i32 to vector<640x1xi32>
    %lt3A_19 = arith.cmpi slt, %iota3A, %lt3A_18 : vector<640x1xi32>
    %get3A_20 = arith.constant 0 : index
    %get3A_21 = arith.constant 0 : index
    %get3A_22 = arith.constant 0 : index
    %get3A_23 = vector.load %arg1[%get3A_20, %get3A_21, %get3A_22] : memref<1x640x768xf32, #tpu.memory_space<vmem>>, vector<1x640x768xf32>
    %get3A_24 = vector.shape_cast %get3A_23 : vector<1x640x768xf32> to vector<640x768xf32>
    %jit3A = arith.constant 0.000000e+00 : f32
    %broadcast_in_dim3A = vector.shape_cast %lt3A_19 : vector<640x1xi1> to vector<640x1xi1>
    %broadcast_in_dim3A_25 = vector.broadcast %broadcast_in_dim3A : vector<640x1xi1> to vector<640x768xi1>
    %broadcast_in_dim3A_26 = vector.broadcast %jit3A : f32 to vector<640x768xf32>
    %select_n3A = arith.select %broadcast_in_dim3A_25, %get3A_24, %broadcast_in_dim3A_26 : vector<640x768xi1>, vector<640x768xf32>
    %reduce_sum3A = arith.constant dense<0.000000e+00> : vector<640xf32>
    %reduce_sum3A_27 = vector.multi_reduction <add>, %select_n3A, %reduce_sum3A [1] : vector<640x768xf32> to vector<640xf32>
    %broadcast_in_dim3A_28 = vector.shape_cast %reduce_sum3A_27 : vector<640xf32> to vector<640x1xf32>
    %div3A = arith.constant 7.680000e+02 : f32
    %div3A_29 = vector.broadcast %div3A : f32 to vector<640x1xf32>
    %div3A_30 = arith.divf %broadcast_in_dim3A_28, %div3A_29 : vector<640x1xf32>
    %sub3A = vector.broadcast %div3A_30 : vector<640x1xf32> to vector<640x768xf32>
    %sub3A_31 = arith.subf %select_n3A, %sub3A : vector<640x768xf32>
    %integer_pow3A = arith.mulf %sub3A_31, %sub3A_31 : vector<640x768xf32>
    %reduce_sum3A_32 = arith.constant dense<0.000000e+00> : vector<640xf32>
    %reduce_sum3A_33 = vector.multi_reduction <add>, %integer_pow3A, %reduce_sum3A_32 [1] : vector<640x768xf32> to vector<640xf32>
    %broadcast_in_dim3A_34 = vector.shape_cast %reduce_sum3A_33 : vector<640xf32> to vector<640x1xf32>
    %div3A_35 = arith.constant 7.680000e+02 : f32
    %div3A_36 = vector.broadcast %div3A_35 : f32 to vector<640x1xf32>
    %div3A_37 = arith.divf %broadcast_in_dim3A_34, %div3A_36 : vector<640x1xf32>
    %sub3A_38 = vector.broadcast %div3A_30 : vector<640x1xf32> to vector<640x768xf32>
    %sub3A_39 = arith.subf %select_n3A, %sub3A_38 : vector<640x768xf32>
    %add3A = arith.constant 9.99999974E-6 : f32
    %add3A_40 = vector.broadcast %add3A : f32 to vector<640x1xf32>
    %add3A_41 = arith.addf %div3A_37, %add3A_40 : vector<640x1xf32>
    %rsqrt3A = math.rsqrt %add3A_41 : vector<640x1xf32>
    %mul3A = vector.broadcast %rsqrt3A : vector<640x1xf32> to vector<640x768xf32>
    %mul3A_42 = arith.mulf %sub3A_39, %mul3A : vector<640x768xf32>
    %get3A_43 = arith.constant 0 : index
    %get3A_44 = arith.constant 0 : index
    %get3A_45 = vector.load %arg2[%get3A_43, %get3A_44] : memref<1x768xf32, #tpu.memory_space<vmem>>, vector<1x768xf32>
    %mul3A_46 = vector.broadcast %get3A_45 : vector<1x768xf32> to vector<640x768xf32>
    %mul3A_47 = arith.mulf %mul3A_42, %mul3A_46 : vector<640x768xf32>
    %get3A_48 = arith.constant 0 : index
    %get3A_49 = arith.constant 0 : index
    %get3A_50 = vector.load %arg3[%get3A_48, %get3A_49] : memref<1x768xf32, #tpu.memory_space<vmem>>, vector<1x768xf32>
    %add3A_51 = vector.broadcast %get3A_50 : vector<1x768xf32> to vector<640x768xf32>
    %add3A_52 = arith.addf %mul3A_47, %add3A_51 : vector<640x768xf32>
    %convert_element_type3A_53 = arith.truncf %add3A_52 : vector<640x768xf32> to vector<640x768xbf16>
    %get3A_54 = arith.constant 0 : index
    %get3A_55 = arith.constant 0 : index
    %get3A_56 = vector.load %arg4[%get3A_54, %get3A_55] : memref<768x2304xf32, #tpu.memory_space<vmem>>, vector<768x2304xf32>
    %convert_element_type3A_57 = arith.truncf %get3A_56 : vector<768x2304xf32> to vector<768x2304xbf16>
    %dot_general3A = arith.constant dense<0.000000e+00> : vector<640x2304xf32>
    %dot_general3A_58 = tpu.matmul %convert_element_type3A_53, %convert_element_type3A_57, %dot_general3A {dimension_numbers = #tpu.dot_dimension_numbers<[1], [0], [0], [1], [0, 0, 1, 1], [], []>, transpose_lhs_hint = false} : vector<640x768xbf16>, vector<768x2304xbf16>, vector<640x2304xf32> -> vector<640x2304xf32>
    %get3A_59 = arith.constant 0 : index
    %get3A_60 = arith.constant 0 : index
    %get3A_61 = vector.load %arg5[%get3A_59, %get3A_60] : memref<1x2304xf32, #tpu.memory_space<vmem>>, vector<1x2304xf32>
    %add3A_62 = vector.broadcast %get3A_61 : vector<1x2304xf32> to vector<640x2304xf32>
    %add3A_63 = arith.addf %dot_general3A_58, %add3A_62 : vector<640x2304xf32>
    %iota3A_64 = tpu.iota {dimensions = array<i32: 1>} : vector<640x64xi32>
    %eq3A = arith.constant 0 : i32
    %eq3A_65 = vector.broadcast %eq3A : i32 to vector<640x64xi32>
    %eq3A_66 = arith.cmpi eq, %iota3A_64, %eq3A_65 : vector<640x64xi32>
    %jit3A_67 = arith.constant 1.000000e+00 : f32
    %jit3A_68 = arith.constant 0.000000e+00 : f32
    %broadcast_in_dim3A_69 = vector.broadcast %jit3A_67 : f32 to vector<640x64xf32>
    %broadcast_in_dim3A_70 = vector.broadcast %jit3A_68 : f32 to vector<640x64xf32>
    %select_n3A_71 = arith.select %eq3A_66, %broadcast_in_dim3A_69, %broadcast_in_dim3A_70 : vector<640x64xi1>, vector<640x64xf32>
    %convert_element_type3A_72 = arith.truncf %select_n3A_71 : vector<640x64xf32> to vector<640x64xbf16>
    %slice3A = vector.extract_strided_slice %add3A_63 {offsets = [0, 0], sizes = [640, 64], strides = [1, 1]} : vector<640x2304xf32> to vector<640x64xf32>
    %mul3A_73 = arith.constant 1.250000e-01 : f32
    %mul3A_74 = vector.broadcast %mul3A_73 : f32 to vector<640x64xf32>
    %mul3A_75 = arith.mulf %slice3A, %mul3A_74 : vector<640x64xf32>
    %convert_element_type3A_76 = arith.truncf %mul3A_75 : vector<640x64xf32> to vector<640x64xbf16>
    %swap3A_77 = arith.constant 0 : index
    %swap3A_78 = arith.constant 0 : index
    %swap3A_79 = arith.constant 0 : index
    %swap3A_80 = arith.constant 0 : index
    %swap3A_81 = vector.load %arg9[%swap3A_77, %swap3A_78, %swap3A_79, %swap3A_80] : memref<1x12x640x64xbf16, #tpu.memory_space<vmem>>, vector<1x1x640x64xbf16>
    %swap3A_82 = vector.shape_cast %swap3A_81 : vector<1x1x640x64xbf16> to vector<640x64xbf16>
    %swap3A_83 = vector.shape_cast %convert_element_type3A_76 : vector<640x64xbf16> to vector<1x1x640x64xbf16>
    tpu.vector_store %arg9[%swap3A_77, %swap3A_78, %swap3A_79, %swap3A_80], %swap3A_83 {strides = array<i32>} : memref<1x12x640x64xbf16, #tpu.memory_space<vmem>>, vector<1x1x640x64xbf16>,
    %slice3A_84 = vector.extract_strided_slice %add3A_63 {offsets = [0, 768], sizes = [640, 64], strides = [1, 1]} : vector<640x2304xf32> to vector<640x64xf32>
    %convert_element_type3A_85 = arith.truncf %slice3A_84 : vector<640x64xf32> to vector<640x64xbf16>
    %swap3A_86 = arith.constant 0 : index
    %swap3A_87 = arith.constant 0 : index
    %swap3A_88 = arith.constant 0 : index
    %swap3A_89 = arith.constant 0 : index
    %swap3A_90 = vector.load %arg10[%swap3A_86, %swap3A_87, %swap3A_88, %swap3A_89] : memref<1x12x640x64xbf16, #tpu.memory_space<vmem>>, vector<1x1x640x64xbf16>
    %swap3A_91 = vector.shape_cast %swap3A_90 : vector<1x1x640x64xbf16> to vector<640x64xbf16>
    %swap3A_92 = vector.shape_cast %convert_element_type3A_85 : vector<640x64xbf16> to vector<1x1x640x64xbf16>
    tpu.vector_store %arg10[%swap3A_86, %swap3A_87, %swap3A_88, %swap3A_89], %swap3A_92 {strides = array<i32>} : memref<1x12x640x64xbf16, #tpu.memory_space<vmem>>, vector<1x1x640x64xbf16>,
    %slice3A_93 = vector.extract_strided_slice %add3A_63 {offsets = [0, 1536], sizes = [640, 64], strides = [1, 1]} : vector<640x2304xf32> to vector<640x64xf32>
    %convert_element_type3A_94 = arith.truncf %slice3A_93 : vector<640x64xf32> to vector<640x64xbf16>
    %concatenate3A = tpu.concatenate %convert_element_type3A_94, %convert_element_type3A_72 in 1 : vector<640x64xbf16>, vector<640x64xbf16> -> vector<640x128xbf16>
    %swap3A_95 = arith.constant 0 : index
    %swap3A_96 = arith.constant 0 : index
    %swap3A_97 = arith.constant 0 : index
    %swap3A_98 = arith.constant 0 : index
    %swap3A_99 = vector.load %arg11[%swap3A_95, %swap3A_96, %swap3A_97, %swap3A_98] : memref<1x12x640x128xbf16, #tpu.memory_space<vmem>>, vector<1x1x640x128xbf16>
    %swap3A_100 = vector.shape_cast %swap3A_99 : vector<1x1x640x128xbf16> to vector<640x128xbf16>
    %swap3A_101 = vector.shape_cast %concatenate3A : vector<640x128xbf16> to vector<1x1x640x128xbf16>
    tpu.vector_store %arg11[%swap3A_95, %swap3A_96, %swap3A_97, %swap3A_98], %swap3A_101 {strides = array<i32>} : memref<1x12x640x128xbf16, #tpu.memory_space<vmem>>, vector<1x1x640x128xbf16>,
    %slice3A_102 = vector.extract_strided_slice %add3A_63 {offsets = [0, 64], sizes = [640, 64], strides = [1, 1]} : vector<640x2304xf32> to vector<640x64xf32>
    %mul3A_103 = arith.constant 1.250000e-01 : f32
    %mul3A_104 = vector.broadcast %mul3A_103 : f32 to vector<640x64xf32>
    %mul3A_105 = arith.mulf %slice3A_102, %mul3A_104 : vector<640x64xf32>
    %convert_element_type3A_106 = arith.truncf %mul3A_105 : vector<640x64xf32> to vector<640x64xbf16>
    %swap3A_107 = arith.constant 0 : index
    %swap3A_108 = arith.constant 1 : index
    %swap3A_109 = arith.constant 0 : index
    %swap3A_110 = arith.constant 0 : index
    %swap3A_111 = vector.load %arg9[%swap3A_107, %swap3A_108, %swap3A_109, %swap3A_110] : memref<1x12x640x64xbf16, #tpu.memory_space<vmem>>, vector<1x1x640x64xbf16>
    %swap3A_112 = vector.shape_cast %swap3A_111 : vector<1x1x640x64xbf16> to vector<640x64xbf16>
    %swap3A_113 = vector.shape_cast %convert_element_type3A_106 : vector<640x64xbf16> to vector<1x1x640x64xbf16>
    tpu.vector_store %arg9[%swap3A_107, %swap3A_108, %swap3A_109, %swap3A_110], %swap3A_113 {strides = array<i32>} : memref<1x12x640x64xbf16, #tpu.memory_space<vmem>>, vector<1x1x640x64xbf16>,
    %slice3A_114 = vector.extract_strided_slice %add3A_63 {offsets = [0, 832], sizes = [640, 64], strides = [1, 1]} : vector<640x2304xf32> to vector<640x64xf32>
    %convert_element_type3A_115 = arith.truncf %slice3A_114 : vector<640x64xf32> to vector<640x64xbf16>
    %swap3A_116 = arith.constant 0 : index
    %swap3A_117 = arith.constant 1 : index
    %swap3A_118 = arith.constant 0 : index
    %swap3A_119 = arith.constant 0 : index
    %swap3A_120 = vector.load %arg10[%swap3A_116, %swap3A_117, %swap3A_118, %swap3A_119] : memref<1x12x640x64xbf16, #tpu.memory_space<vmem>>, vector<1x1x640x64xbf16>
    %swap3A_121 = vector.shape_cast %swap3A_120 : vector<1x1x640x64xbf16> to vector<640x64xbf16>
    %swap3A_122 = vector.shape_cast %convert_element_type3A_115 : vector<640x64xbf16> to vector<1x1x640x64xbf16>
    tpu.vector_store %arg10[%swap3A_116, %swap3A_117, %swap3A_118, %swap3A_119], %swap3A_122 {strides = array<i32>} : memref<1x12x640x64xbf16, #tpu.memory_space<vmem>>, vector<1x1x640x64xbf16>,
    %slice3A_123 = vector.extract_strided_slice %add3A_63 {offsets = [0, 1600], sizes = [640, 64], strides = [1, 1]} : vector<640x2304xf32> to vector<640x64xf32>
    %convert_element_type3A_124 = arith.truncf %slice3A_123 : vector<640x64xf32> to vector<640x64xbf16>
    %concatenate3A_125 = tpu.concatenate %convert_element_type3A_124, %convert_element_type3A_72 in 1 : vector<640x64xbf16>, vector<640x64xbf16> -> vector<640x128xbf16>
    %swap3A_126 = arith.constant 0 : index
    %swap3A_127 = arith.constant 1 : index
    %swap3A_128 = arith.constant 0 : index
    %swap3A_129 = arith.constant 0 : index
    %swap3A_130 = vector.load %arg11[%swap3A_126, %swap3A_127, %swap3A_128, %swap3A_129] : memref<1x12x640x128xbf16, #tpu.memory_space<vmem>>, vector<1x1x640x128xbf16>
    %swap3A_131 = vector.shape_cast %swap3A_130 : vector<1x1x640x128xbf16> to vector<640x128xbf16>
    %swap3A_132 = vector.shape_cast %concatenate3A_125 : vector<640x128xbf16> to vector<1x1x640x128xbf16>
    tpu.vector_store %arg11[%swap3A_126, %swap3A_127, %swap3A_128, %swap3A_129], %swap3A_132 {strides = array<i32>} : memref<1x12x640x128xbf16, #tpu.memory_space<vmem>>, vector<1x1x640x128xbf16>,
    %slice3A_133 = vector.extract_strided_slice %add3A_63 {offsets = [0, 128], sizes = [640, 64], strides = [1, 1]} : vector<640x2304xf32> to vector<640x64xf32>
    %mul3A_134 = arith.constant 1.250000e-01 : f32
    %mul3A_135 = vector.broadcast %mul3A_134 : f32 to vector<640x64xf32>
    %mul3A_136 = arith.mulf %slice3A_133, %mul3A_135 : vector<640x64xf32>
    %convert_element_type3A_137 = arith.truncf %mul3A_136 : vector<640x64xf32> to vector<640x64xbf16>
    %swap3A_138 = arith.constant 0 : index
    %swap3A_139 = arith.constant 2 : index
    %swap3A_140 = arith.constant 0 : index
    %swap3A_141 = arith.constant 0 : index
    %swap3A_142 = vector.load %arg9[%swap3A_138, %swap3A_139, %swap3A_140, %swap3A_141] : memref<1x12x640x64xbf16, #tpu.memory_space<vmem>>, vector<1x1x640x64xbf16>
    %swap3A_143 = vector.shape_cast %swap3A_142 : vector<1x1x640x64xbf16> to vector<640x64xbf16>
    %swap3A_144 = vector.shape_cast %convert_element_type3A_137 : vector<640x64xbf16> to vector<1x1x640x64xbf16>
    tpu.vector_store %arg9[%swap3A_138, %swap3A_139, %swap3A_140, %swap3A_141], %swap3A_144 {strides = array<i32>} : memref<1x12x640x64xbf16, #tpu.memory_space<vmem>>, vector<1x1x640x64xbf16>,
    %slice3A_145 = vector.extract_strided_slice %add3A_63 {offsets = [0, 896], sizes = [640, 64], strides = [1, 1]} : vector<640x2304xf32> to vector<640x64xf32>
    %convert_element_type3A_146 = arith.truncf %slice3A_145 : vector<640x64xf32> to vector<640x64xbf16>
    %swap3A_147 = arith.constant 0 : index
    %swap3A_148 = arith.constant 2 : index
    %swap3A_149 = arith.constant 0 : index
    %swap3A_150 = arith.constant 0 : index
    %swap3A_151 = vector.load %arg10[%swap3A_147, %swap3A_148, %swap3A_149, %swap3A_150] : memref<1x12x640x64xbf16, #tpu.memory_space<vmem>>, vector<1x1x640x64xbf16>
    %swap3A_152 = vector.shape_cast %swap3A_151 : vector<1x1x640x64xbf16> to vector<640x64xbf16>
    %swap3A_153 = vector.shape_cast %convert_element_type3A_146 : vector<640x64xbf16> to vector<1x1x640x64xbf16>
    tpu.vector_store %arg10[%swap3A_147, %swap3A_148, %swap3A_149, %swap3A_150], %swap3A_153 {strides = array<i32>} : memref<1x12x640x64xbf16, #tpu.memory_space<vmem>>, vector<1x1x640x64xbf16>,
    %slice3A_154 = vector.extract_strided_slice %add3A_63 {offsets = [0, 1664], sizes = [640, 64], strides = [1, 1]} : vector<640x2304xf32> to vector<640x64xf32>
    %convert_element_type3A_155 = arith.truncf %slice3A_154 : vector<640x64xf32> to vector<640x64xbf16>
    %concatenate3A_156 = tpu.concatenate %convert_element_type3A_155, %convert_element_type3A_72 in 1 : vector<640x64xbf16>, vector<640x64xbf16> -> vector<640x128xbf16>
    %swap3A_157 = arith.constant 0 : index
    %swap3A_158 = arith.constant 2 : index
    %swap3A_159 = arith.constant 0 : index
    %swap3A_160 = arith.constant 0 : index
    %swap3A_161 = vector.load %arg11[%swap3A_157, %swap3A_158, %swap3A_159, %swap3A_160] : memref<1x12x640x128xbf16, #tpu.memory_space<vmem>>, vector<1x1x640x128xbf16>
    %swap3A_162 = vector.shape_cast %swap3A_161 : vector<1x1x640x128xbf16> to vector<640x128xbf16>
    %swap3A_163 = vector.shape_cast %concatenate3A_156 : vector<640x128xbf16> to vector<1x1x640x128xbf16>
    tpu.vector_store %arg11[%swap3A_157, %swap3A_158, %swap3A_159, %swap3A_160], %swap3A_163 {strides = array<i32>} : memref<1x12x640x128xbf16, #tpu.memory_space<vmem>>, vector<1x1x640x128xbf16>,
    %slice3A_164 = vector.extract_strided_slice %add3A_63 {offsets = [0, 192], sizes = [640, 64], strides = [1, 1]} : vector<640x2304xf32> to vector<640x64xf32>
    %mul3A_165 = arith.constant 1.250000e-01 : f32
    %mul3A_166 = vector.broadcast %mul3A_165 : f32 to vector<640x64xf32>
    %mul3A_167 = arith.mulf %slice3A_164, %mul3A_166 : vector<640x64xf32>
    %convert_element_type3A_168 = arith.truncf %mul3A_167 : vector<640x64xf32> to vector<640x64xbf16>
    %swap3A_169 = arith.constant 0 : index
    %swap3A_170 = arith.constant 3 : index
    %swap3A_171 = arith.constant 0 : index
    %swap3A_172 = arith.constant 0 : index
    %swap3A_173 = vector.load %arg9[%swap3A_169, %swap3A_170, %swap3A_171, %swap3A_172] : memref<1x12x640x64xbf16, #tpu.memory_space<vmem>>, vector<1x1x640x64xbf16>
    %swap3A_174 = vector.shape_cast %swap3A_173 : vector<1x1x640x64xbf16> to vector<640x64xbf16>
    %swap3A_175 = vector.shape_cast %convert_element_type3A_168 : vector<640x64xbf16> to vector<1x1x640x64xbf16>
    tpu.vector_store %arg9[%swap3A_169, %swap3A_170, %swap3A_171, %swap3A_172], %swap3A_175 {strides = array<i32>} : memref<1x12x640x64xbf16, #tpu.memory_space<vmem>>, vector<1x1x640x64xbf16>,
    %slice3A_176 = vector.extract_strided_slice %add3A_63 {offsets = [0, 960], sizes = [640, 64], strides = [1, 1]} : vector<640x2304xf32> to vector<640x64xf32>
    %convert_element_type3A_177 = arith.truncf %slice3A_176 : vector<640x64xf32> to vector<640x64xbf16>
    %swap3A_178 = arith.constant 0 : index
    %swap3A_179 = arith.constant 3 : index
    %swap3A_180 = arith.constant 0 : index
    %swap3A_181 = arith.constant 0 : index
    %swap3A_182 = vector.load %arg10[%swap3A_178, %swap3A_179, %swap3A_180, %swap3A_181] : memref<1x12x640x64xbf16, #tpu.memory_space<vmem>>, vector<1x1x640x64xbf16>
    %swap3A_183 = vector.shape_cast %swap3A_182 : vector<1x1x640x64xbf16> to vector<640x64xbf16>
    %swap3A_184 = vector.shape_cast %convert_element_type3A_177 : vector<640x64xbf16> to vector<1x1x640x64xbf16>
    tpu.vector_store %arg10[%swap3A_178, %swap3A_179, %swap3A_180, %swap3A_181], %swap3A_184 {strides = array<i32>} : memref<1x12x640x64xbf16, #tpu.memory_space<vmem>>, vector<1x1x640x64xbf16>,
    %slice3A_185 = vector.extract_strided_slice %add3A_63 {offsets = [0, 1728], sizes = [640, 64], strides = [1, 1]} : vector<640x2304xf32> to vector<640x64xf32>
    %convert_element_type3A_186 = arith.truncf %slice3A_185 : vector<640x64xf32> to vector<640x64xbf16>
    %concatenate3A_187 = tpu.concatenate %convert_element_type3A_186, %convert_element_type3A_72 in 1 : vector<640x64xbf16>, vector<640x64xbf16> -> vector<640x128xbf16>
    %swap3A_188 = arith.constant 0 : index
    %swap3A_189 = arith.constant 3 : index
    %swap3A_190 = arith.constant 0 : index
    %swap3A_191 = arith.constant 0 : index
    %swap3A_192 = vector.load %arg11[%swap3A_188, %swap3A_189, %swap3A_190, %swap3A_191] : memref<1x12x640x128xbf16, #tpu.memory_space<vmem>>, vector<1x1x640x128xbf16>
    %swap3A_193 = vector.shape_cast %swap3A_192 : vector<1x1x640x128xbf16> to vector<640x128xbf16>
    %swap3A_194 = vector.shape_cast %concatenate3A_187 : vector<640x128xbf16> to vector<1x1x640x128xbf16>
    tpu.vector_store %arg11[%swap3A_188, %swap3A_189, %swap3A_190, %swap3A_191], %swap3A_194 {strides = array<i32>} : memref<1x12x640x128xbf16, #tpu.memory_space<vmem>>, vector<1x1x640x128xbf16>,
    %slice3A_195 = vector.extract_strided_slice %add3A_63 {offsets = [0, 256], sizes = [640, 64], strides = [1, 1]} : vector<640x2304xf32> to vector<640x64xf32>
    %mul3A_196 = arith.constant 1.250000e-01 : f32
    %mul3A_197 = vector.broadcast %mul3A_196 : f32 to vector<640x64xf32>
    %mul3A_198 = arith.mulf %slice3A_195, %mul3A_197 : vector<640x64xf32>
    %convert_element_type3A_199 = arith.truncf %mul3A_198 : vector<640x64xf32> to vector<640x64xbf16>
    %swap3A_200 = arith.constant 0 : index
    %swap3A_201 = arith.constant 4 : index
    %swap3A_202 = arith.constant 0 : index
    %swap3A_203 = arith.constant 0 : index
    %swap3A_204 = vector.load %arg9[%swap3A_200, %swap3A_201, %swap3A_202, %swap3A_203] : memref<1x12x640x64xbf16, #tpu.memory_space<vmem>>, vector<1x1x640x64xbf16>
    %swap3A_205 = vector.shape_cast %swap3A_204 : vector<1x1x640x64xbf16> to vector<640x64xbf16>
    %swap3A_206 = vector.shape_cast %convert_element_type3A_199 : vector<640x64xbf16> to vector<1x1x640x64xbf16>
    tpu.vector_store %arg9[%swap3A_200, %swap3A_201, %swap3A_202, %swap3A_203], %swap3A_206 {strides = array<i32>} : memref<1x12x640x64xbf16, #tpu.memory_space<vmem>>, vector<1x1x640x64xbf16>,
    %slice3A_207 = vector.extract_strided_slice %add3A_63 {offsets = [0, 1024], sizes = [640, 64], strides = [1, 1]} : vector<640x2304xf32> to vector<640x64xf32>
    %convert_element_type3A_208 = arith.truncf %slice3A_207 : vector<640x64xf32> to vector<640x64xbf16>
    %swap3A_209 = arith.constant 0 : index
    %swap3A_210 = arith.constant 4 : index
    %swap3A_211 = arith.constant 0 : index
    %swap3A_212 = arith.constant 0 : index
    %swap3A_213 = vector.load %arg10[%swap3A_209, %swap3A_210, %swap3A_211, %swap3A_212] : memref<1x12x640x64xbf16, #tpu.memory_space<vmem>>, vector<1x1x640x64xbf16>
    %swap3A_214 = vector.shape_cast %swap3A_213 : vector<1x1x640x64xbf16> to vector<640x64xbf16>
    %swap3A_215 = vector.shape_cast %convert_element_type3A_208 : vector<640x64xbf16> to vector<1x1x640x64xbf16>
    tpu.vector_store %arg10[%swap3A_209, %swap3A_210, %swap3A_211, %swap3A_212], %swap3A_215 {strides = array<i32>} : memref<1x12x640x64xbf16, #tpu.memory_space<vmem>>, vector<1x1x640x64xbf16>,
    %slice3A_216 = vector.extract_strided_slice %add3A_63 {offsets = [0, 1792], sizes = [640, 64], strides = [1, 1]} : vector<640x2304xf32> to vector<640x64xf32>
    %convert_element_type3A_217 = arith.truncf %slice3A_216 : vector<640x64xf32> to vector<640x64xbf16>
    %concatenate3A_218 = tpu.concatenate %convert_element_type3A_217, %convert_element_type3A_72 in 1 : vector<640x64xbf16>, vector<640x64xbf16> -> vector<640x128xbf16>
    %swap3A_219 = arith.constant 0 : index
    %swap3A_220 = arith.constant 4 : index
    %swap3A_221 = arith.constant 0 : index
    %swap3A_222 = arith.constant 0 : index
    %swap3A_223 = vector.load %arg11[%swap3A_219, %swap3A_220, %swap3A_221, %swap3A_222] : memref<1x12x640x128xbf16, #tpu.memory_space<vmem>>, vector<1x1x640x128xbf16>
    %swap3A_224 = vector.shape_cast %swap3A_223 : vector<1x1x640x128xbf16> to vector<640x128xbf16>
    %swap3A_225 = vector.shape_cast %concatenate3A_218 : vector<640x128xbf16> to vector<1x1x640x128xbf16>
    tpu.vector_store %arg11[%swap3A_219, %swap3A_220, %swap3A_221, %swap3A_222], %swap3A_225 {strides = array<i32>} : memref<1x12x640x128xbf16, #tpu.memory_space<vmem>>, vector<1x1x640x128xbf16>,
    %slice3A_226 = vector.extract_strided_slice %add3A_63 {offsets = [0, 320], sizes = [640, 64], strides = [1, 1]} : vector<640x2304xf32> to vector<640x64xf32>
    %mul3A_227 = arith.constant 1.250000e-01 : f32
    %mul3A_228 = vector.broadcast %mul3A_227 : f32 to vector<640x64xf32>
    %mul3A_229 = arith.mulf %slice3A_226, %mul3A_228 : vector<640x64xf32>
    %convert_element_type3A_230 = arith.truncf %mul3A_229 : vector<640x64xf32> to vector<640x64xbf16>
    %swap3A_231 = arith.constant 0 : index
    %swap3A_232 = arith.constant 5 : index
    %swap3A_233 = arith.constant 0 : index
    %swap3A_234 = arith.constant 0 : index
    %swap3A_235 = vector.load %arg9[%swap3A_231, %swap3A_232, %swap3A_233, %swap3A_234] : memref<1x12x640x64xbf16, #tpu.memory_space<vmem>>, vector<1x1x640x64xbf16>
    %swap3A_236 = vector.shape_cast %swap3A_235 : vector<1x1x640x64xbf16> to vector<640x64xbf16>
    %swap3A_237 = vector.shape_cast %convert_element_type3A_230 : vector<640x64xbf16> to vector<1x1x640x64xbf16>
    tpu.vector_store %arg9[%swap3A_231, %swap3A_232, %swap3A_233, %swap3A_234], %swap3A_237 {strides = array<i32>} : memref<1x12x640x64xbf16, #tpu.memory_space<vmem>>, vector<1x1x640x64xbf16>,
    %slice3A_238 = vector.extract_strided_slice %add3A_63 {offsets = [0, 1088], sizes = [640, 64], strides = [1, 1]} : vector<640x2304xf32> to vector<640x64xf32>
    %convert_element_type3A_239 = arith.truncf %slice3A_238 : vector<640x64xf32> to vector<640x64xbf16>
    %swap3A_240 = arith.constant 0 : index
    %swap3A_241 = arith.constant 5 : index
    %swap3A_242 = arith.constant 0 : index
    %swap3A_243 = arith.constant 0 : index
    %swap3A_244 = vector.load %arg10[%swap3A_240, %swap3A_241, %swap3A_242, %swap3A_243] : memref<1x12x640x64xbf16, #tpu.memory_space<vmem>>, vector<1x1x640x64xbf16>
    %swap3A_245 = vector.shape_cast %swap3A_244 : vector<1x1x640x64xbf16> to vector<640x64xbf16>
    %swap3A_246 = vector.shape_cast %convert_element_type3A_239 : vector<640x64xbf16> to vector<1x1x640x64xbf16>
    tpu.vector_store %arg10[%swap3A_240, %swap3A_241, %swap3A_242, %swap3A_243], %swap3A_246 {strides = array<i32>} : memref<1x12x640x64xbf16, #tpu.memory_space<vmem>>, vector<1x1x640x64xbf16>,
    %slice3A_247 = vector.extract_strided_slice %add3A_63 {offsets = [0, 1856], sizes = [640, 64], strides = [1, 1]} : vector<640x2304xf32> to vector<640x64xf32>
    %convert_element_type3A_248 = arith.truncf %slice3A_247 : vector<640x64xf32> to vector<640x64xbf16>
    %concatenate3A_249 = tpu.concatenate %convert_element_type3A_248, %convert_element_type3A_72 in 1 : vector<640x64xbf16>, vector<640x64xbf16> -> vector<640x128xbf16>
    %swap3A_250 = arith.constant 0 : index
    %swap3A_251 = arith.constant 5 : index
    %swap3A_252 = arith.constant 0 : index
    %swap3A_253 = arith.constant 0 : index
    %swap3A_254 = vector.load %arg11[%swap3A_250, %swap3A_251, %swap3A_252, %swap3A_253] : memref<1x12x640x128xbf16, #tpu.memory_space<vmem>>, vector<1x1x640x128xbf16>
    %swap3A_255 = vector.shape_cast %swap3A_254 : vector<1x1x640x128xbf16> to vector<640x128xbf16>
    %swap3A_256 = vector.shape_cast %concatenate3A_249 : vector<640x128xbf16> to vector<1x1x640x128xbf16>
    tpu.vector_store %arg11[%swap3A_250, %swap3A_251, %swap3A_252, %swap3A_253], %swap3A_256 {strides = array<i32>} : memref<1x12x640x128xbf16, #tpu.memory_space<vmem>>, vector<1x1x640x128xbf16>,
    %slice3A_257 = vector.extract_strided_slice %add3A_63 {offsets = [0, 384], sizes = [640, 64], strides = [1, 1]} : vector<640x2304xf32> to vector<640x64xf32>
    %mul3A_258 = arith.constant 1.250000e-01 : f32
    %mul3A_259 = vector.broadcast %mul3A_258 : f32 to vector<640x64xf32>
    %mul3A_260 = arith.mulf %slice3A_257, %mul3A_259 : vector<640x64xf32>
    %convert_element_type3A_261 = arith.truncf %mul3A_260 : vector<640x64xf32> to vector<640x64xbf16>
    %swap3A_262 = arith.constant 0 : index
    %swap3A_263 = arith.constant 6 : index
    %swap3A_264 = arith.constant 0 : index
    %swap3A_265 = arith.constant 0 : index
    %swap3A_266 = vector.load %arg9[%swap3A_262, %swap3A_263, %swap3A_264, %swap3A_265] : memref<1x12x640x64xbf16, #tpu.memory_space<vmem>>, vector<1x1x640x64xbf16>
    %swap3A_267 = vector.shape_cast %swap3A_266 : vector<1x1x640x64xbf16> to vector<640x64xbf16>
    %swap3A_268 = vector.shape_cast %convert_element_type3A_261 : vector<640x64xbf16> to vector<1x1x640x64xbf16>
    tpu.vector_store %arg9[%swap3A_262, %swap3A_263, %swap3A_264, %swap3A_265], %swap3A_268 {strides = array<i32>} : memref<1x12x640x64xbf16, #tpu.memory_space<vmem>>, vector<1x1x640x64xbf16>,
    %slice3A_269 = vector.extract_strided_slice %add3A_63 {offsets = [0, 1152], sizes = [640, 64], strides = [1, 1]} : vector<640x2304xf32> to vector<640x64xf32>
    %convert_element_type3A_270 = arith.truncf %slice3A_269 : vector<640x64xf32> to vector<640x64xbf16>
    %swap3A_271 = arith.constant 0 : index
    %swap3A_272 = arith.constant 6 : index
    %swap3A_273 = arith.constant 0 : index
    %swap3A_274 = arith.constant 0 : index
    %swap3A_275 = vector.load %arg10[%swap3A_271, %swap3A_272, %swap3A_273, %swap3A_274] : memref<1x12x640x64xbf16, #tpu.memory_space<vmem>>, vector<1x1x640x64xbf16>
    %swap3A_276 = vector.shape_cast %swap3A_275 : vector<1x1x640x64xbf16> to vector<640x64xbf16>
    %swap3A_277 = vector.shape_cast %convert_element_type3A_270 : vector<640x64xbf16> to vector<1x1x640x64xbf16>
    tpu.vector_store %arg10[%swap3A_271, %swap3A_272, %swap3A_273, %swap3A_274], %swap3A_277 {strides = array<i32>} : memref<1x12x640x64xbf16, #tpu.memory_space<vmem>>, vector<1x1x640x64xbf16>,
    %slice3A_278 = vector.extract_strided_slice %add3A_63 {offsets = [0, 1920], sizes = [640, 64], strides = [1, 1]} : vector<640x2304xf32> to vector<640x64xf32>
    %convert_element_type3A_279 = arith.truncf %slice3A_278 : vector<640x64xf32> to vector<640x64xbf16>
    %concatenate3A_280 = tpu.concatenate %convert_element_type3A_279, %convert_element_type3A_72 in 1 : vector<640x64xbf16>, vector<640x64xbf16> -> vector<640x128xbf16>
    %swap3A_281 = arith.constant 0 : index
    %swap3A_282 = arith.constant 6 : index
    %swap3A_283 = arith.constant 0 : index
    %swap3A_284 = arith.constant 0 : index
    %swap3A_285 = vector.load %arg11[%swap3A_281, %swap3A_282, %swap3A_283, %swap3A_284] : memref<1x12x640x128xbf16, #tpu.memory_space<vmem>>, vector<1x1x640x128xbf16>
    %swap3A_286 = vector.shape_cast %swap3A_285 : vector<1x1x640x128xbf16> to vector<640x128xbf16>
    %swap3A_287 = vector.shape_cast %concatenate3A_280 : vector<640x128xbf16> to vector<1x1x640x128xbf16>
    tpu.vector_store %arg11[%swap3A_281, %swap3A_282, %swap3A_283, %swap3A_284], %swap3A_287 {strides = array<i32>} : memref<1x12x640x128xbf16, #tpu.memory_space<vmem>>, vector<1x1x640x128xbf16>,
    %slice3A_288 = vector.extract_strided_slice %add3A_63 {offsets = [0, 448], sizes = [640, 64], strides = [1, 1]} : vector<640x2304xf32> to vector<640x64xf32>
    %mul3A_289 = arith.constant 1.250000e-01 : f32
    %mul3A_290 = vector.broadcast %mul3A_289 : f32 to vector<640x64xf32>
    %mul3A_291 = arith.mulf %slice3A_288, %mul3A_290 : vector<640x64xf32>
    %convert_element_type3A_292 = arith.truncf %mul3A_291 : vector<640x64xf32> to vector<640x64xbf16>
    %swap3A_293 = arith.constant 0 : index
    %swap3A_294 = arith.constant 7 : index
    %swap3A_295 = arith.constant 0 : index
    %swap3A_296 = arith.constant 0 : index
    %swap3A_297 = vector.load %arg9[%swap3A_293, %swap3A_294, %swap3A_295, %swap3A_296] : memref<1x12x640x64xbf16, #tpu.memory_space<vmem>>, vector<1x1x640x64xbf16>
    %swap3A_298 = vector.shape_cast %swap3A_297 : vector<1x1x640x64xbf16> to vector<640x64xbf16>
    %swap3A_299 = vector.shape_cast %convert_element_type3A_292 : vector<640x64xbf16> to vector<1x1x640x64xbf16>
    tpu.vector_store %arg9[%swap3A_293, %swap3A_294, %swap3A_295, %swap3A_296], %swap3A_299 {strides = array<i32>} : memref<1x12x640x64xbf16, #tpu.memory_space<vmem>>, vector<1x1x640x64xbf16>,
    %slice3A_300 = vector.extract_strided_slice %add3A_63 {offsets = [0, 1216], sizes = [640, 64], strides = [1, 1]} : vector<640x2304xf32> to vector<640x64xf32>
    %convert_element_type3A_301 = arith.truncf %slice3A_300 : vector<640x64xf32> to vector<640x64xbf16>
    %swap3A_302 = arith.constant 0 : index
    %swap3A_303 = arith.constant 7 : index
    %swap3A_304 = arith.constant 0 : index
    %swap3A_305 = arith.constant 0 : index
    %swap3A_306 = vector.load %arg10[%swap3A_302, %swap3A_303, %swap3A_304, %swap3A_305] : memref<1x12x640x64xbf16, #tpu.memory_space<vmem>>, vector<1x1x640x64xbf16>
    %swap3A_307 = vector.shape_cast %swap3A_306 : vector<1x1x640x64xbf16> to vector<640x64xbf16>
    %swap3A_308 = vector.shape_cast %convert_element_type3A_301 : vector<640x64xbf16> to vector<1x1x640x64xbf16>
    tpu.vector_store %arg10[%swap3A_302, %swap3A_303, %swap3A_304, %swap3A_305], %swap3A_308 {strides = array<i32>} : memref<1x12x640x64xbf16, #tpu.memory_space<vmem>>, vector<1x1x640x64xbf16>,
    %slice3A_309 = vector.extract_strided_slice %add3A_63 {offsets = [0, 1984], sizes = [640, 64], strides = [1, 1]} : vector<640x2304xf32> to vector<640x64xf32>
    %convert_element_type3A_310 = arith.truncf %slice3A_309 : vector<640x64xf32> to vector<640x64xbf16>
    %concatenate3A_311 = tpu.concatenate %convert_element_type3A_310, %convert_element_type3A_72 in 1 : vector<640x64xbf16>, vector<640x64xbf16> -> vector<640x128xbf16>
    %swap3A_312 = arith.constant 0 : index
    %swap3A_313 = arith.constant 7 : index
    %swap3A_314 = arith.constant 0 : index
    %swap3A_315 = arith.constant 0 : index
    %swap3A_316 = vector.load %arg11[%swap3A_312, %swap3A_313, %swap3A_314, %swap3A_315] : memref<1x12x640x128xbf16, #tpu.memory_space<vmem>>, vector<1x1x640x128xbf16>
    %swap3A_317 = vector.shape_cast %swap3A_316 : vector<1x1x640x128xbf16> to vector<640x128xbf16>
    %swap3A_318 = vector.shape_cast %concatenate3A_311 : vector<640x128xbf16> to vector<1x1x640x128xbf16>
    tpu.vector_store %arg11[%swap3A_312, %swap3A_313, %swap3A_314, %swap3A_315], %swap3A_318 {strides = array<i32>} : memref<1x12x640x128xbf16, #tpu.memory_space<vmem>>, vector<1x1x640x128xbf16>,
    %slice3A_319 = vector.extract_strided_slice %add3A_63 {offsets = [0, 512], sizes = [640, 64], strides = [1, 1]} : vector<640x2304xf32> to vector<640x64xf32>
    %mul3A_320 = arith.constant 1.250000e-01 : f32
    %mul3A_321 = vector.broadcast %mul3A_320 : f32 to vector<640x64xf32>
    %mul3A_322 = arith.mulf %slice3A_319, %mul3A_321 : vector<640x64xf32>
    %convert_element_type3A_323 = arith.truncf %mul3A_322 : vector<640x64xf32> to vector<640x64xbf16>
    %swap3A_324 = arith.constant 0 : index
    %swap3A_325 = arith.constant 8 : index
    %swap3A_326 = arith.constant 0 : index
    %swap3A_327 = arith.constant 0 : index
    %swap3A_328 = vector.load %arg9[%swap3A_324, %swap3A_325, %swap3A_326, %swap3A_327] : memref<1x12x640x64xbf16, #tpu.memory_space<vmem>>, vector<1x1x640x64xbf16>
    %swap3A_329 = vector.shape_cast %swap3A_328 : vector<1x1x640x64xbf16> to vector<640x64xbf16>
    %swap3A_330 = vector.shape_cast %convert_element_type3A_323 : vector<640x64xbf16> to vector<1x1x640x64xbf16>
    tpu.vector_store %arg9[%swap3A_324, %swap3A_325, %swap3A_326, %swap3A_327], %swap3A_330 {strides = array<i32>} : memref<1x12x640x64xbf16, #tpu.memory_space<vmem>>, vector<1x1x640x64xbf16>,
    %slice3A_331 = vector.extract_strided_slice %add3A_63 {offsets = [0, 1280], sizes = [640, 64], strides = [1, 1]} : vector<640x2304xf32> to vector<640x64xf32>
    %convert_element_type3A_332 = arith.truncf %slice3A_331 : vector<640x64xf32> to vector<640x64xbf16>
    %swap3A_333 = arith.constant 0 : index
    %swap3A_334 = arith.constant 8 : index
    %swap3A_335 = arith.constant 0 : index
    %swap3A_336 = arith.constant 0 : index
    %swap3A_337 = vector.load %arg10[%swap3A_333, %swap3A_334, %swap3A_335, %swap3A_336] : memref<1x12x640x64xbf16, #tpu.memory_space<vmem>>, vector<1x1x640x64xbf16>
    %swap3A_338 = vector.shape_cast %swap3A_337 : vector<1x1x640x64xbf16> to vector<640x64xbf16>
    %swap3A_339 = vector.shape_cast %convert_element_type3A_332 : vector<640x64xbf16> to vector<1x1x640x64xbf16>
    tpu.vector_store %arg10[%swap3A_333, %swap3A_334, %swap3A_335, %swap3A_336], %swap3A_339 {strides = array<i32>} : memref<1x12x640x64xbf16, #tpu.memory_space<vmem>>, vector<1x1x640x64xbf16>,
    %slice3A_340 = vector.extract_strided_slice %add3A_63 {offsets = [0, 2048], sizes = [640, 64], strides = [1, 1]} : vector<640x2304xf32> to vector<640x64xf32>
    %convert_element_type3A_341 = arith.truncf %slice3A_340 : vector<640x64xf32> to vector<640x64xbf16>
    %concatenate3A_342 = tpu.concatenate %convert_element_type3A_341, %convert_element_type3A_72 in 1 : vector<640x64xbf16>, vector<640x64xbf16> -> vector<640x128xbf16>
    %swap3A_343 = arith.constant 0 : index
    %swap3A_344 = arith.constant 8 : index
    %swap3A_345 = arith.constant 0 : index
    %swap3A_346 = arith.constant 0 : index
    %swap3A_347 = vector.load %arg11[%swap3A_343, %swap3A_344, %swap3A_345, %swap3A_346] : memref<1x12x640x128xbf16, #tpu.memory_space<vmem>>, vector<1x1x640x128xbf16>
    %swap3A_348 = vector.shape_cast %swap3A_347 : vector<1x1x640x128xbf16> to vector<640x128xbf16>
    %swap3A_349 = vector.shape_cast %concatenate3A_342 : vector<640x128xbf16> to vector<1x1x640x128xbf16>
    tpu.vector_store %arg11[%swap3A_343, %swap3A_344, %swap3A_345, %swap3A_346], %swap3A_349 {strides = array<i32>} : memref<1x12x640x128xbf16, #tpu.memory_space<vmem>>, vector<1x1x640x128xbf16>,
    %slice3A_350 = vector.extract_strided_slice %add3A_63 {offsets = [0, 576], sizes = [640, 64], strides = [1, 1]} : vector<640x2304xf32> to vector<640x64xf32>
    %mul3A_351 = arith.constant 1.250000e-01 : f32
    %mul3A_352 = vector.broadcast %mul3A_351 : f32 to vector<640x64xf32>
    %mul3A_353 = arith.mulf %slice3A_350, %mul3A_352 : vector<640x64xf32>
    %convert_element_type3A_354 = arith.truncf %mul3A_353 : vector<640x64xf32> to vector<640x64xbf16>
    %swap3A_355 = arith.constant 0 : index
    %swap3A_356 = arith.constant 9 : index
    %swap3A_357 = arith.constant 0 : index
    %swap3A_358 = arith.constant 0 : index
    %swap3A_359 = vector.load %arg9[%swap3A_355, %swap3A_356, %swap3A_357, %swap3A_358] : memref<1x12x640x64xbf16, #tpu.memory_space<vmem>>, vector<1x1x640x64xbf16>
    %swap3A_360 = vector.shape_cast %swap3A_359 : vector<1x1x640x64xbf16> to vector<640x64xbf16>
    %swap3A_361 = vector.shape_cast %convert_element_type3A_354 : vector<640x64xbf16> to vector<1x1x640x64xbf16>
    tpu.vector_store %arg9[%swap3A_355, %swap3A_356, %swap3A_357, %swap3A_358], %swap3A_361 {strides = array<i32>} : memref<1x12x640x64xbf16, #tpu.memory_space<vmem>>, vector<1x1x640x64xbf16>,
    %slice3A_362 = vector.extract_strided_slice %add3A_63 {offsets = [0, 1344], sizes = [640, 64], strides = [1, 1]} : vector<640x2304xf32> to vector<640x64xf32>
    %convert_element_type3A_363 = arith.truncf %slice3A_362 : vector<640x64xf32> to vector<640x64xbf16>
    %swap3A_364 = arith.constant 0 : index
    %swap3A_365 = arith.constant 9 : index
    %swap3A_366 = arith.constant 0 : index
    %swap3A_367 = arith.constant 0 : index
    %swap3A_368 = vector.load %arg10[%swap3A_364, %swap3A_365, %swap3A_366, %swap3A_367] : memref<1x12x640x64xbf16, #tpu.memory_space<vmem>>, vector<1x1x640x64xbf16>
    %swap3A_369 = vector.shape_cast %swap3A_368 : vector<1x1x640x64xbf16> to vector<640x64xbf16>
    %swap3A_370 = vector.shape_cast %convert_element_type3A_363 : vector<640x64xbf16> to vector<1x1x640x64xbf16>
    tpu.vector_store %arg10[%swap3A_364, %swap3A_365, %swap3A_366, %swap3A_367], %swap3A_370 {strides = array<i32>} : memref<1x12x640x64xbf16, #tpu.memory_space<vmem>>, vector<1x1x640x64xbf16>,
    %slice3A_371 = vector.extract_strided_slice %add3A_63 {offsets = [0, 2112], sizes = [640, 64], strides = [1, 1]} : vector<640x2304xf32> to vector<640x64xf32>
    %convert_element_type3A_372 = arith.truncf %slice3A_371 : vector<640x64xf32> to vector<640x64xbf16>
    %concatenate3A_373 = tpu.concatenate %convert_element_type3A_372, %convert_element_type3A_72 in 1 : vector<640x64xbf16>, vector<640x64xbf16> -> vector<640x128xbf16>
    %swap3A_374 = arith.constant 0 : index
    %swap3A_375 = arith.constant 9 : index
    %swap3A_376 = arith.constant 0 : index
    %swap3A_377 = arith.constant 0 : index
    %swap3A_378 = vector.load %arg11[%swap3A_374, %swap3A_375, %swap3A_376, %swap3A_377] : memref<1x12x640x128xbf16, #tpu.memory_space<vmem>>, vector<1x1x640x128xbf16>
    %swap3A_379 = vector.shape_cast %swap3A_378 : vector<1x1x640x128xbf16> to vector<640x128xbf16>
    %swap3A_380 = vector.shape_cast %concatenate3A_373 : vector<640x128xbf16> to vector<1x1x640x128xbf16>
    tpu.vector_store %arg11[%swap3A_374, %swap3A_375, %swap3A_376, %swap3A_377], %swap3A_380 {strides = array<i32>} : memref<1x12x640x128xbf16, #tpu.memory_space<vmem>>, vector<1x1x640x128xbf16>,
    %slice3A_381 = vector.extract_strided_slice %add3A_63 {offsets = [0, 640], sizes = [640, 64], strides = [1, 1]} : vector<640x2304xf32> to vector<640x64xf32>
    %mul3A_382 = arith.constant 1.250000e-01 : f32
    %mul3A_383 = vector.broadcast %mul3A_382 : f32 to vector<640x64xf32>
    %mul3A_384 = arith.mulf %slice3A_381, %mul3A_383 : vector<640x64xf32>
    %convert_element_type3A_385 = arith.truncf %mul3A_384 : vector<640x64xf32> to vector<640x64xbf16>
    %swap3A_386 = arith.constant 0 : index
    %swap3A_387 = arith.constant 10 : index
    %swap3A_388 = arith.constant 0 : index
    %swap3A_389 = arith.constant 0 : index
    %swap3A_390 = vector.load %arg9[%swap3A_386, %swap3A_387, %swap3A_388, %swap3A_389] : memref<1x12x640x64xbf16, #tpu.memory_space<vmem>>, vector<1x1x640x64xbf16>
    %swap3A_391 = vector.shape_cast %swap3A_390 : vector<1x1x640x64xbf16> to vector<640x64xbf16>
    %swap3A_392 = vector.shape_cast %convert_element_type3A_385 : vector<640x64xbf16> to vector<1x1x640x64xbf16>
    tpu.vector_store %arg9[%swap3A_386, %swap3A_387, %swap3A_388, %swap3A_389], %swap3A_392 {strides = array<i32>} : memref<1x12x640x64xbf16, #tpu.memory_space<vmem>>, vector<1x1x640x64xbf16>,
    %slice3A_393 = vector.extract_strided_slice %add3A_63 {offsets = [0, 1408], sizes = [640, 64], strides = [1, 1]} : vector<640x2304xf32> to vector<640x64xf32>
    %convert_element_type3A_394 = arith.truncf %slice3A_393 : vector<640x64xf32> to vector<640x64xbf16>
    %swap3A_395 = arith.constant 0 : index
    %swap3A_396 = arith.constant 10 : index
    %swap3A_397 = arith.constant 0 : index
    %swap3A_398 = arith.constant 0 : index
    %swap3A_399 = vector.load %arg10[%swap3A_395, %swap3A_396, %swap3A_397, %swap3A_398] : memref<1x12x640x64xbf16, #tpu.memory_space<vmem>>, vector<1x1x640x64xbf16>
    %swap3A_400 = vector.shape_cast %swap3A_399 : vector<1x1x640x64xbf16> to vector<640x64xbf16>
    %swap3A_401 = vector.shape_cast %convert_element_type3A_394 : vector<640x64xbf16> to vector<1x1x640x64xbf16>
    tpu.vector_store %arg10[%swap3A_395, %swap3A_396, %swap3A_397, %swap3A_398], %swap3A_401 {strides = array<i32>} : memref<1x12x640x64xbf16, #tpu.memory_space<vmem>>, vector<1x1x640x64xbf16>,
    %slice3A_402 = vector.extract_strided_slice %add3A_63 {offsets = [0, 2176], sizes = [640, 64], strides = [1, 1]} : vector<640x2304xf32> to vector<640x64xf32>
    %convert_element_type3A_403 = arith.truncf %slice3A_402 : vector<640x64xf32> to vector<640x64xbf16>
    %concatenate3A_404 = tpu.concatenate %convert_element_type3A_403, %convert_element_type3A_72 in 1 : vector<640x64xbf16>, vector<640x64xbf16> -> vector<640x128xbf16>
    %swap3A_405 = arith.constant 0 : index
    %swap3A_406 = arith.constant 10 : index
    %swap3A_407 = arith.constant 0 : index
    %swap3A_408 = arith.constant 0 : index
    %swap3A_409 = vector.load %arg11[%swap3A_405, %swap3A_406, %swap3A_407, %swap3A_408] : memref<1x12x640x128xbf16, #tpu.memory_space<vmem>>, vector<1x1x640x128xbf16>
    %swap3A_410 = vector.shape_cast %swap3A_409 : vector<1x1x640x128xbf16> to vector<640x128xbf16>
    %swap3A_411 = vector.shape_cast %concatenate3A_404 : vector<640x128xbf16> to vector<1x1x640x128xbf16>
    tpu.vector_store %arg11[%swap3A_405, %swap3A_406, %swap3A_407, %swap3A_408], %swap3A_411 {strides = array<i32>} : memref<1x12x640x128xbf16, #tpu.memory_space<vmem>>, vector<1x1x640x128xbf16>,
    %slice3A_412 = vector.extract_strided_slice %add3A_63 {offsets = [0, 704], sizes = [640, 64], strides = [1, 1]} : vector<640x2304xf32> to vector<640x64xf32>
    %mul3A_413 = arith.constant 1.250000e-01 : f32
    %mul3A_414 = vector.broadcast %mul3A_413 : f32 to vector<640x64xf32>
    %mul3A_415 = arith.mulf %slice3A_412, %mul3A_414 : vector<640x64xf32>
    %convert_element_type3A_416 = arith.truncf %mul3A_415 : vector<640x64xf32> to vector<640x64xbf16>
    %swap3A_417 = arith.constant 0 : index
    %swap3A_418 = arith.constant 11 : index
    %swap3A_419 = arith.constant 0 : index
    %swap3A_420 = arith.constant 0 : index
    %swap3A_421 = vector.load %arg9[%swap3A_417, %swap3A_418, %swap3A_419, %swap3A_420] : memref<1x12x640x64xbf16, #tpu.memory_space<vmem>>, vector<1x1x640x64xbf16>
    %swap3A_422 = vector.shape_cast %swap3A_421 : vector<1x1x640x64xbf16> to vector<640x64xbf16>
    %swap3A_423 = vector.shape_cast %convert_element_type3A_416 : vector<640x64xbf16> to vector<1x1x640x64xbf16>
    tpu.vector_store %arg9[%swap3A_417, %swap3A_418, %swap3A_419, %swap3A_420], %swap3A_423 {strides = array<i32>} : memref<1x12x640x64xbf16, #tpu.memory_space<vmem>>, vector<1x1x640x64xbf16>,
    %slice3A_424 = vector.extract_strided_slice %add3A_63 {offsets = [0, 1472], sizes = [640, 64], strides = [1, 1]} : vector<640x2304xf32> to vector<640x64xf32>
    %convert_element_type3A_425 = arith.truncf %slice3A_424 : vector<640x64xf32> to vector<640x64xbf16>
    %swap3A_426 = arith.constant 0 : index
    %swap3A_427 = arith.constant 11 : index
    %swap3A_428 = arith.constant 0 : index
    %swap3A_429 = arith.constant 0 : index
    %swap3A_430 = vector.load %arg10[%swap3A_426, %swap3A_427, %swap3A_428, %swap3A_429] : memref<1x12x640x64xbf16, #tpu.memory_space<vmem>>, vector<1x1x640x64xbf16>
    %swap3A_431 = vector.shape_cast %swap3A_430 : vector<1x1x640x64xbf16> to vector<640x64xbf16>
    %swap3A_432 = vector.shape_cast %convert_element_type3A_425 : vector<640x64xbf16> to vector<1x1x640x64xbf16>
    tpu.vector_store %arg10[%swap3A_426, %swap3A_427, %swap3A_428, %swap3A_429], %swap3A_432 {strides = array<i32>} : memref<1x12x640x64xbf16, #tpu.memory_space<vmem>>, vector<1x1x640x64xbf16>,
    %slice3A_433 = vector.extract_strided_slice %add3A_63 {offsets = [0, 2240], sizes = [640, 64], strides = [1, 1]} : vector<640x2304xf32> to vector<640x64xf32>
    %convert_element_type3A_434 = arith.truncf %slice3A_433 : vector<640x64xf32> to vector<640x64xbf16>
    %concatenate3A_435 = tpu.concatenate %convert_element_type3A_434, %convert_element_type3A_72 in 1 : vector<640x64xbf16>, vector<640x64xbf16> -> vector<640x128xbf16>
    %swap3A_436 = arith.constant 0 : index
    %swap3A_437 = arith.constant 11 : index
    %swap3A_438 = arith.constant 0 : index
    %swap3A_439 = arith.constant 0 : index
    %swap3A_440 = vector.load %arg11[%swap3A_436, %swap3A_437, %swap3A_438, %swap3A_439] : memref<1x12x640x128xbf16, #tpu.memory_space<vmem>>, vector<1x1x640x128xbf16>
    %swap3A_441 = vector.shape_cast %swap3A_440 : vector<1x1x640x128xbf16> to vector<640x128xbf16>
    %swap3A_442 = vector.shape_cast %concatenate3A_435 : vector<640x128xbf16> to vector<1x1x640x128xbf16>
    tpu.vector_store %arg11[%swap3A_436, %swap3A_437, %swap3A_438, %swap3A_439], %swap3A_442 {strides = array<i32>} : memref<1x12x640x128xbf16, #tpu.memory_space<vmem>>, vector<1x1x640x128xbf16>,
    return
  }
  func.func @transform_0(%arg0: i32) -> (i32, i32, i32) {
    %c0_i32 = arith.constant 0 : i32
    %c0_i32_0 = arith.constant 0 : i32
    %c0_i32_1 = arith.constant 0 : i32
    return %arg0, %c0_i32, %c0_i32_0 : i32, i32, i32
  }
  func.func @transform_1(%arg0: i32) -> (i32, i32) {
    %c0_i32 = arith.constant 0 : i32
    %c0_i32_0 = arith.constant 0 : i32
    %c0_i32_1 = arith.constant 0 : i32
    return %c0_i32, %c0_i32_0 : i32, i32
  }
  func.func @transform_2(%arg0: i32) -> (i32, i32) {
    %c0_i32 = arith.constant 0 : i32
    %c0_i32_0 = arith.constant 0 : i32
    %c0_i32_1 = arith.constant 0 : i32
    return %c0_i32, %c0_i32_0 : i32, i32
  }
  func.func @transform_3(%arg0: i32) -> (i32, i32) {
    %c0_i32 = arith.constant 0 : i32
    %c0_i32_0 = arith.constant 0 : i32
    %c0_i32_1 = arith.constant 0 : i32
    return %c0_i32, %c0_i32_0 : i32, i32
  }
  func.func @transform_4(%arg0: i32) -> (i32, i32) {
    %c0_i32 = arith.constant 0 : i32
    %c0_i32_0 = arith.constant 0 : i32
    %c0_i32_1 = arith.constant 0 : i32
    return %c0_i32, %c0_i32_0 : i32, i32
  }
  func.func @transform_5(%arg0: i32) -> (i32, i32) {
    %c0_i32 = arith.constant 0 : i32
    %c0_i32_0 = arith.constant 0 : i32
    return %arg0, %c0_i32 : i32, i32
  }
  func.func @transform_6(%arg0: i32) -> (i32, i32) {
    %c0_i32 = arith.constant 0 : i32
    %c0_i32_0 = arith.constant 0 : i32
    return %arg0, %c0_i32 : i32, i32
  }
  func.func @transform_7(%arg0: i32) -> (i32, i32) {
    %c0_i32 = arith.constant 0 : i32
    %c0_i32_0 = arith.constant 0 : i32
    return %arg0, %c0_i32 : i32, i32
  }
  func.func @transform_8(%arg0: i32) -> (i32, i32, i32, i32) {
    %c0_i32 = arith.constant 0 : i32
    %c0_i32_0 = arith.constant 0 : i32
    %c0_i32_1 = arith.constant 0 : i32
    %c0_i32_2 = arith.constant 0 : i32
    return %arg0, %c0_i32, %c0_i32_0, %c0_i32_1 : i32, i32, i32, i32
  }
  func.func @transform_9(%arg0: i32) -> (i32, i32, i32, i32) {
    %c0_i32 = arith.constant 0 : i32
    %c0_i32_0 = arith.constant 0 : i32
    %c0_i32_1 = arith.constant 0 : i32
    %c0_i32_2 = arith.constant 0 : i32
    return %arg0, %c0_i32, %c0_i32_0, %c0_i32_1 : i32, i32, i32, i32
  }
  func.func @transform_10(%arg0: i32) -> (i32, i32, i32, i32) {
    %c0_i32 = arith.constant 0 : i32
    %c0_i32_0 = arith.constant 0 : i32
    %c0_i32_1 = arith.constant 0 : i32
    %c0_i32_2 = arith.constant 0 : i32
    return %arg0, %c0_i32, %c0_i32_0, %c0_i32_1 : i32, i32, i32, i32
  }
  func.func @transform_11(%arg0: i32) -> (i32, i32) {
    %c0_i32 = arith.constant 0 : i32
    %c0_i32_0 = arith.constant 0 : i32
    return %arg0, %c0_i32 : i32, i32
  }
  func.func @transform_12(%arg0: i32) -> (i32, i32) {
    %c0_i32 = arith.constant 0 : i32
    %c0_i32_0 = arith.constant 0 : i32
    return %arg0, %c0_i32 : i32, i32
  }
  func.func @transform_13(%arg0: i32) -> (i32, i32) {
    %c0_i32 = arith.constant 0 : i32
    %c0_i32_0 = arith.constant 0 : i32
    return %arg0, %c0_i32 : i32, i32
  }
}

module attributes {stable_mosaic.version = 14 : i64} {
  func.func @_attn_mlp_body(%arg0: i32, %arg1: memref<1x12x640x64xbf16, #tpu.memory_space<vmem>>, %arg2: memref<1x12x640x64xbf16, #tpu.memory_space<vmem>>, %arg3: memref<1x12x640x128xbf16, #tpu.memory_space<vmem>>, %arg4: memref<640x640xbf16, #tpu.memory_space<vmem>>, %arg5: memref<1x640x768xf32, #tpu.memory_space<vmem>>, %arg6: memref<768x768xbf16, #tpu.memory_space<vmem>>, %arg7: memref<1x768xf32, #tpu.memory_space<vmem>>, %arg8: memref<1x768xf32, #tpu.memory_space<vmem>>, %arg9: memref<1x768xf32, #tpu.memory_space<vmem>>, %arg10: memref<768x3072xbf16, #tpu.memory_space<vmem>>, %arg11: memref<1x3072xf32, #tpu.memory_space<vmem>>, %arg12: memref<3072x768xbf16, #tpu.memory_space<vmem>>, %arg13: memref<1x768xf32, #tpu.memory_space<vmem>>, %arg14: memref<1x640x768xf32, #tpu.memory_space<vmem>>) attributes {dimension_semantics = [#tpu.dimension_semantics<parallel>], iteration_bounds = array<i64: 4>, scalar_prefetch = 0 : i64, scratch_operands = 0 : i64, tpu.core_type = #tpu.core_type<tc>, window_params = [{transform_indices = @transform_0, window_bounds = array<i64: 1, 12, 640, 64>}, {transform_indices = @transform_1, window_bounds = array<i64: 1, 12, 640, 64>}, {transform_indices = @transform_2, window_bounds = array<i64: 1, 12, 640, 128>}, {pipeline_mode = #tpu.pipeline_mode<synchronous>, transform_indices = @transform_3, window_bounds = array<i64: 640, 640>}, {transform_indices = @transform_4, window_bounds = array<i64: 1, 640, 768>}, {pipeline_mode = #tpu.pipeline_mode<synchronous>, transform_indices = @transform_5, window_bounds = array<i64: 768, 768>}, {pipeline_mode = #tpu.pipeline_mode<synchronous>, transform_indices = @transform_6, window_bounds = array<i64: 1, 768>}, {pipeline_mode = #tpu.pipeline_mode<synchronous>, transform_indices = @transform_7, window_bounds = array<i64: 1, 768>}, {pipeline_mode = #tpu.pipeline_mode<synchronous>, transform_indices = @transform_8, window_bounds = array<i64: 1, 768>}, {pipeline_mode = #tpu.pipeline_mode<synchronous>, transform_indices = @transform_9, window_bounds = array<i64: 768, 3072>}, {pipeline_mode = #tpu.pipeline_mode<synchronous>, transform_indices = @transform_10, window_bounds = array<i64: 1, 3072>}, {pipeline_mode = #tpu.pipeline_mode<synchronous>, transform_indices = @transform_11, window_bounds = array<i64: 3072, 768>}, {pipeline_mode = #tpu.pipeline_mode<synchronous>, transform_indices = @transform_12, window_bounds = array<i64: 1, 768>}, {transform_indices = @transform_13, window_bounds = array<i64: 1, 640, 768>}]} {
    %get3A = arith.constant 0 : index
    %get3A_0 = arith.constant 0 : index
    %get3A_1 = vector.load %arg4[%get3A, %get3A_0] : memref<640x640xbf16, #tpu.memory_space<vmem>>, vector<640x640xbf16>
    %get3A_2 = arith.constant 0 : index
    %get3A_3 = arith.constant 0 : index
    %get3A_4 = arith.constant 0 : index
    %get3A_5 = arith.constant 0 : index
    %get3A_6 = vector.load %arg1[%get3A_2, %get3A_3, %get3A_4, %get3A_5] : memref<1x12x640x64xbf16, #tpu.memory_space<vmem>>, vector<1x1x640x64xbf16>
    %get3A_7 = vector.shape_cast %get3A_6 : vector<1x1x640x64xbf16> to vector<640x64xbf16>
    %get3A_8 = arith.constant 0 : index
    %get3A_9 = arith.constant 0 : index
    %get3A_10 = arith.constant 0 : index
    %get3A_11 = arith.constant 0 : index
    %get3A_12 = vector.load %arg2[%get3A_8, %get3A_9, %get3A_10, %get3A_11] : memref<1x12x640x64xbf16, #tpu.memory_space<vmem>>, vector<1x1x640x64xbf16>
    %get3A_13 = vector.shape_cast %get3A_12 : vector<1x1x640x64xbf16> to vector<640x64xbf16>
    %dot_general3A = arith.constant dense<0.000000e+00> : vector<640x640xf32>
    %dot_general3A_14 = tpu.matmul %get3A_7, %get3A_13, %dot_general3A {dimension_numbers = #tpu.dot_dimension_numbers<[1], [1], [0], [0], [0, 0, 1, 0], [], []>, transpose_lhs_hint = false} : vector<640x64xbf16>, vector<640x64xbf16>, vector<640x640xf32> -> vector<640x640xf32>
    %convert_element_type3A = arith.truncf %dot_general3A_14 : vector<640x640xf32> to vector<640x640xbf16>
    %exp3A = math.exp %convert_element_type3A : vector<640x640xbf16>
    %mul3A = arith.mulf %exp3A, %get3A_1 : vector<640x640xbf16>
    %get3A_15 = arith.constant 0 : index
    %get3A_16 = arith.constant 0 : index
    %get3A_17 = arith.constant 0 : index
    %get3A_18 = arith.constant 0 : index
    %get3A_19 = vector.load %arg3[%get3A_15, %get3A_16, %get3A_17, %get3A_18] : memref<1x12x640x128xbf16, #tpu.memory_space<vmem>>, vector<1x1x640x128xbf16>
    %get3A_20 = vector.shape_cast %get3A_19 : vector<1x1x640x128xbf16> to vector<640x128xbf16>
    %dot_general3A_21 = arith.constant dense<0.000000e+00> : vector<640x128xf32>
    %dot_general3A_22 = tpu.matmul %mul3A, %get3A_20, %dot_general3A_21 {dimension_numbers = #tpu.dot_dimension_numbers<[1], [0], [0], [1], [0, 0, 1, 1], [], []>, transpose_lhs_hint = false} : vector<640x640xbf16>, vector<640x128xbf16>, vector<640x128xf32> -> vector<640x128xf32>
    %slice3A = vector.extract_strided_slice %dot_general3A_22 {offsets = [0, 0], sizes = [640, 64], strides = [1, 1]} : vector<640x128xf32> to vector<640x64xf32>
    %slice3A_23 = vector.extract_strided_slice %dot_general3A_22 {offsets = [0, 64], sizes = [640, 1], strides = [1, 1]} : vector<640x128xf32> to vector<640x1xf32>
    %div3A = vector.broadcast %slice3A_23 : vector<640x1xf32> to vector<640x64xf32>
    %div3A_24 = arith.divf %slice3A, %div3A : vector<640x64xf32>
    %convert_element_type3A_25 = arith.truncf %div3A_24 : vector<640x64xf32> to vector<640x64xbf16>
    %get3A_26 = arith.constant 0 : index
    %get3A_27 = arith.constant 1 : index
    %get3A_28 = arith.constant 0 : index
    %get3A_29 = arith.constant 0 : index
    %get3A_30 = vector.load %arg1[%get3A_26, %get3A_27, %get3A_28, %get3A_29] : memref<1x12x640x64xbf16, #tpu.memory_space<vmem>>, vector<1x1x640x64xbf16>
    %get3A_31 = vector.shape_cast %get3A_30 : vector<1x1x640x64xbf16> to vector<640x64xbf16>
    %get3A_32 = arith.constant 0 : index
    %get3A_33 = arith.constant 1 : index
    %get3A_34 = arith.constant 0 : index
    %get3A_35 = arith.constant 0 : index
    %get3A_36 = vector.load %arg2[%get3A_32, %get3A_33, %get3A_34, %get3A_35] : memref<1x12x640x64xbf16, #tpu.memory_space<vmem>>, vector<1x1x640x64xbf16>
    %get3A_37 = vector.shape_cast %get3A_36 : vector<1x1x640x64xbf16> to vector<640x64xbf16>
    %dot_general3A_38 = arith.constant dense<0.000000e+00> : vector<640x640xf32>
    %dot_general3A_39 = tpu.matmul %get3A_31, %get3A_37, %dot_general3A_38 {dimension_numbers = #tpu.dot_dimension_numbers<[1], [1], [0], [0], [0, 0, 1, 0], [], []>, transpose_lhs_hint = false} : vector<640x64xbf16>, vector<640x64xbf16>, vector<640x640xf32> -> vector<640x640xf32>
    %convert_element_type3A_40 = arith.truncf %dot_general3A_39 : vector<640x640xf32> to vector<640x640xbf16>
    %exp3A_41 = math.exp %convert_element_type3A_40 : vector<640x640xbf16>
    %mul3A_42 = arith.mulf %exp3A_41, %get3A_1 : vector<640x640xbf16>
    %get3A_43 = arith.constant 0 : index
    %get3A_44 = arith.constant 1 : index
    %get3A_45 = arith.constant 0 : index
    %get3A_46 = arith.constant 0 : index
    %get3A_47 = vector.load %arg3[%get3A_43, %get3A_44, %get3A_45, %get3A_46] : memref<1x12x640x128xbf16, #tpu.memory_space<vmem>>, vector<1x1x640x128xbf16>
    %get3A_48 = vector.shape_cast %get3A_47 : vector<1x1x640x128xbf16> to vector<640x128xbf16>
    %dot_general3A_49 = arith.constant dense<0.000000e+00> : vector<640x128xf32>
    %dot_general3A_50 = tpu.matmul %mul3A_42, %get3A_48, %dot_general3A_49 {dimension_numbers = #tpu.dot_dimension_numbers<[1], [0], [0], [1], [0, 0, 1, 1], [], []>, transpose_lhs_hint = false} : vector<640x640xbf16>, vector<640x128xbf16>, vector<640x128xf32> -> vector<640x128xf32>
    %slice3A_51 = vector.extract_strided_slice %dot_general3A_50 {offsets = [0, 0], sizes = [640, 64], strides = [1, 1]} : vector<640x128xf32> to vector<640x64xf32>
    %slice3A_52 = vector.extract_strided_slice %dot_general3A_50 {offsets = [0, 64], sizes = [640, 1], strides = [1, 1]} : vector<640x128xf32> to vector<640x1xf32>
    %div3A_53 = vector.broadcast %slice3A_52 : vector<640x1xf32> to vector<640x64xf32>
    %div3A_54 = arith.divf %slice3A_51, %div3A_53 : vector<640x64xf32>
    %convert_element_type3A_55 = arith.truncf %div3A_54 : vector<640x64xf32> to vector<640x64xbf16>
    %get3A_56 = arith.constant 0 : index
    %get3A_57 = arith.constant 2 : index
    %get3A_58 = arith.constant 0 : index
    %get3A_59 = arith.constant 0 : index
    %get3A_60 = vector.load %arg1[%get3A_56, %get3A_57, %get3A_58, %get3A_59] : memref<1x12x640x64xbf16, #tpu.memory_space<vmem>>, vector<1x1x640x64xbf16>
    %get3A_61 = vector.shape_cast %get3A_60 : vector<1x1x640x64xbf16> to vector<640x64xbf16>
    %get3A_62 = arith.constant 0 : index
    %get3A_63 = arith.constant 2 : index
    %get3A_64 = arith.constant 0 : index
    %get3A_65 = arith.constant 0 : index
    %get3A_66 = vector.load %arg2[%get3A_62, %get3A_63, %get3A_64, %get3A_65] : memref<1x12x640x64xbf16, #tpu.memory_space<vmem>>, vector<1x1x640x64xbf16>
    %get3A_67 = vector.shape_cast %get3A_66 : vector<1x1x640x64xbf16> to vector<640x64xbf16>
    %dot_general3A_68 = arith.constant dense<0.000000e+00> : vector<640x640xf32>
    %dot_general3A_69 = tpu.matmul %get3A_61, %get3A_67, %dot_general3A_68 {dimension_numbers = #tpu.dot_dimension_numbers<[1], [1], [0], [0], [0, 0, 1, 0], [], []>, transpose_lhs_hint = false} : vector<640x64xbf16>, vector<640x64xbf16>, vector<640x640xf32> -> vector<640x640xf32>
    %convert_element_type3A_70 = arith.truncf %dot_general3A_69 : vector<640x640xf32> to vector<640x640xbf16>
    %exp3A_71 = math.exp %convert_element_type3A_70 : vector<640x640xbf16>
    %mul3A_72 = arith.mulf %exp3A_71, %get3A_1 : vector<640x640xbf16>
    %get3A_73 = arith.constant 0 : index
    %get3A_74 = arith.constant 2 : index
    %get3A_75 = arith.constant 0 : index
    %get3A_76 = arith.constant 0 : index
    %get3A_77 = vector.load %arg3[%get3A_73, %get3A_74, %get3A_75, %get3A_76] : memref<1x12x640x128xbf16, #tpu.memory_space<vmem>>, vector<1x1x640x128xbf16>
    %get3A_78 = vector.shape_cast %get3A_77 : vector<1x1x640x128xbf16> to vector<640x128xbf16>
    %dot_general3A_79 = arith.constant dense<0.000000e+00> : vector<640x128xf32>
    %dot_general3A_80 = tpu.matmul %mul3A_72, %get3A_78, %dot_general3A_79 {dimension_numbers = #tpu.dot_dimension_numbers<[1], [0], [0], [1], [0, 0, 1, 1], [], []>, transpose_lhs_hint = false} : vector<640x640xbf16>, vector<640x128xbf16>, vector<640x128xf32> -> vector<640x128xf32>
    %slice3A_81 = vector.extract_strided_slice %dot_general3A_80 {offsets = [0, 0], sizes = [640, 64], strides = [1, 1]} : vector<640x128xf32> to vector<640x64xf32>
    %slice3A_82 = vector.extract_strided_slice %dot_general3A_80 {offsets = [0, 64], sizes = [640, 1], strides = [1, 1]} : vector<640x128xf32> to vector<640x1xf32>
    %div3A_83 = vector.broadcast %slice3A_82 : vector<640x1xf32> to vector<640x64xf32>
    %div3A_84 = arith.divf %slice3A_81, %div3A_83 : vector<640x64xf32>
    %convert_element_type3A_85 = arith.truncf %div3A_84 : vector<640x64xf32> to vector<640x64xbf16>
    %get3A_86 = arith.constant 0 : index
    %get3A_87 = arith.constant 3 : index
    %get3A_88 = arith.constant 0 : index
    %get3A_89 = arith.constant 0 : index
    %get3A_90 = vector.load %arg1[%get3A_86, %get3A_87, %get3A_88, %get3A_89] : memref<1x12x640x64xbf16, #tpu.memory_space<vmem>>, vector<1x1x640x64xbf16>
    %get3A_91 = vector.shape_cast %get3A_90 : vector<1x1x640x64xbf16> to vector<640x64xbf16>
    %get3A_92 = arith.constant 0 : index
    %get3A_93 = arith.constant 3 : index
    %get3A_94 = arith.constant 0 : index
    %get3A_95 = arith.constant 0 : index
    %get3A_96 = vector.load %arg2[%get3A_92, %get3A_93, %get3A_94, %get3A_95] : memref<1x12x640x64xbf16, #tpu.memory_space<vmem>>, vector<1x1x640x64xbf16>
    %get3A_97 = vector.shape_cast %get3A_96 : vector<1x1x640x64xbf16> to vector<640x64xbf16>
    %dot_general3A_98 = arith.constant dense<0.000000e+00> : vector<640x640xf32>
    %dot_general3A_99 = tpu.matmul %get3A_91, %get3A_97, %dot_general3A_98 {dimension_numbers = #tpu.dot_dimension_numbers<[1], [1], [0], [0], [0, 0, 1, 0], [], []>, transpose_lhs_hint = false} : vector<640x64xbf16>, vector<640x64xbf16>, vector<640x640xf32> -> vector<640x640xf32>
    %convert_element_type3A_100 = arith.truncf %dot_general3A_99 : vector<640x640xf32> to vector<640x640xbf16>
    %exp3A_101 = math.exp %convert_element_type3A_100 : vector<640x640xbf16>
    %mul3A_102 = arith.mulf %exp3A_101, %get3A_1 : vector<640x640xbf16>
    %get3A_103 = arith.constant 0 : index
    %get3A_104 = arith.constant 3 : index
    %get3A_105 = arith.constant 0 : index
    %get3A_106 = arith.constant 0 : index
    %get3A_107 = vector.load %arg3[%get3A_103, %get3A_104, %get3A_105, %get3A_106] : memref<1x12x640x128xbf16, #tpu.memory_space<vmem>>, vector<1x1x640x128xbf16>
    %get3A_108 = vector.shape_cast %get3A_107 : vector<1x1x640x128xbf16> to vector<640x128xbf16>
    %dot_general3A_109 = arith.constant dense<0.000000e+00> : vector<640x128xf32>
    %dot_general3A_110 = tpu.matmul %mul3A_102, %get3A_108, %dot_general3A_109 {dimension_numbers = #tpu.dot_dimension_numbers<[1], [0], [0], [1], [0, 0, 1, 1], [], []>, transpose_lhs_hint = false} : vector<640x640xbf16>, vector<640x128xbf16>, vector<640x128xf32> -> vector<640x128xf32>
    %slice3A_111 = vector.extract_strided_slice %dot_general3A_110 {offsets = [0, 0], sizes = [640, 64], strides = [1, 1]} : vector<640x128xf32> to vector<640x64xf32>
    %slice3A_112 = vector.extract_strided_slice %dot_general3A_110 {offsets = [0, 64], sizes = [640, 1], strides = [1, 1]} : vector<640x128xf32> to vector<640x1xf32>
    %div3A_113 = vector.broadcast %slice3A_112 : vector<640x1xf32> to vector<640x64xf32>
    %div3A_114 = arith.divf %slice3A_111, %div3A_113 : vector<640x64xf32>
    %convert_element_type3A_115 = arith.truncf %div3A_114 : vector<640x64xf32> to vector<640x64xbf16>
    %get3A_116 = arith.constant 0 : index
    %get3A_117 = arith.constant 4 : index
    %get3A_118 = arith.constant 0 : index
    %get3A_119 = arith.constant 0 : index
    %get3A_120 = vector.load %arg1[%get3A_116, %get3A_117, %get3A_118, %get3A_119] : memref<1x12x640x64xbf16, #tpu.memory_space<vmem>>, vector<1x1x640x64xbf16>
    %get3A_121 = vector.shape_cast %get3A_120 : vector<1x1x640x64xbf16> to vector<640x64xbf16>
    %get3A_122 = arith.constant 0 : index
    %get3A_123 = arith.constant 4 : index
    %get3A_124 = arith.constant 0 : index
    %get3A_125 = arith.constant 0 : index
    %get3A_126 = vector.load %arg2[%get3A_122, %get3A_123, %get3A_124, %get3A_125] : memref<1x12x640x64xbf16, #tpu.memory_space<vmem>>, vector<1x1x640x64xbf16>
    %get3A_127 = vector.shape_cast %get3A_126 : vector<1x1x640x64xbf16> to vector<640x64xbf16>
    %dot_general3A_128 = arith.constant dense<0.000000e+00> : vector<640x640xf32>
    %dot_general3A_129 = tpu.matmul %get3A_121, %get3A_127, %dot_general3A_128 {dimension_numbers = #tpu.dot_dimension_numbers<[1], [1], [0], [0], [0, 0, 1, 0], [], []>, transpose_lhs_hint = false} : vector<640x64xbf16>, vector<640x64xbf16>, vector<640x640xf32> -> vector<640x640xf32>
    %convert_element_type3A_130 = arith.truncf %dot_general3A_129 : vector<640x640xf32> to vector<640x640xbf16>
    %exp3A_131 = math.exp %convert_element_type3A_130 : vector<640x640xbf16>
    %mul3A_132 = arith.mulf %exp3A_131, %get3A_1 : vector<640x640xbf16>
    %get3A_133 = arith.constant 0 : index
    %get3A_134 = arith.constant 4 : index
    %get3A_135 = arith.constant 0 : index
    %get3A_136 = arith.constant 0 : index
    %get3A_137 = vector.load %arg3[%get3A_133, %get3A_134, %get3A_135, %get3A_136] : memref<1x12x640x128xbf16, #tpu.memory_space<vmem>>, vector<1x1x640x128xbf16>
    %get3A_138 = vector.shape_cast %get3A_137 : vector<1x1x640x128xbf16> to vector<640x128xbf16>
    %dot_general3A_139 = arith.constant dense<0.000000e+00> : vector<640x128xf32>
    %dot_general3A_140 = tpu.matmul %mul3A_132, %get3A_138, %dot_general3A_139 {dimension_numbers = #tpu.dot_dimension_numbers<[1], [0], [0], [1], [0, 0, 1, 1], [], []>, transpose_lhs_hint = false} : vector<640x640xbf16>, vector<640x128xbf16>, vector<640x128xf32> -> vector<640x128xf32>
    %slice3A_141 = vector.extract_strided_slice %dot_general3A_140 {offsets = [0, 0], sizes = [640, 64], strides = [1, 1]} : vector<640x128xf32> to vector<640x64xf32>
    %slice3A_142 = vector.extract_strided_slice %dot_general3A_140 {offsets = [0, 64], sizes = [640, 1], strides = [1, 1]} : vector<640x128xf32> to vector<640x1xf32>
    %div3A_143 = vector.broadcast %slice3A_142 : vector<640x1xf32> to vector<640x64xf32>
    %div3A_144 = arith.divf %slice3A_141, %div3A_143 : vector<640x64xf32>
    %convert_element_type3A_145 = arith.truncf %div3A_144 : vector<640x64xf32> to vector<640x64xbf16>
    %get3A_146 = arith.constant 0 : index
    %get3A_147 = arith.constant 5 : index
    %get3A_148 = arith.constant 0 : index
    %get3A_149 = arith.constant 0 : index
    %get3A_150 = vector.load %arg1[%get3A_146, %get3A_147, %get3A_148, %get3A_149] : memref<1x12x640x64xbf16, #tpu.memory_space<vmem>>, vector<1x1x640x64xbf16>
    %get3A_151 = vector.shape_cast %get3A_150 : vector<1x1x640x64xbf16> to vector<640x64xbf16>
    %get3A_152 = arith.constant 0 : index
    %get3A_153 = arith.constant 5 : index
    %get3A_154 = arith.constant 0 : index
    %get3A_155 = arith.constant 0 : index
    %get3A_156 = vector.load %arg2[%get3A_152, %get3A_153, %get3A_154, %get3A_155] : memref<1x12x640x64xbf16, #tpu.memory_space<vmem>>, vector<1x1x640x64xbf16>
    %get3A_157 = vector.shape_cast %get3A_156 : vector<1x1x640x64xbf16> to vector<640x64xbf16>
    %dot_general3A_158 = arith.constant dense<0.000000e+00> : vector<640x640xf32>
    %dot_general3A_159 = tpu.matmul %get3A_151, %get3A_157, %dot_general3A_158 {dimension_numbers = #tpu.dot_dimension_numbers<[1], [1], [0], [0], [0, 0, 1, 0], [], []>, transpose_lhs_hint = false} : vector<640x64xbf16>, vector<640x64xbf16>, vector<640x640xf32> -> vector<640x640xf32>
    %convert_element_type3A_160 = arith.truncf %dot_general3A_159 : vector<640x640xf32> to vector<640x640xbf16>
    %exp3A_161 = math.exp %convert_element_type3A_160 : vector<640x640xbf16>
    %mul3A_162 = arith.mulf %exp3A_161, %get3A_1 : vector<640x640xbf16>
    %get3A_163 = arith.constant 0 : index
    %get3A_164 = arith.constant 5 : index
    %get3A_165 = arith.constant 0 : index
    %get3A_166 = arith.constant 0 : index
    %get3A_167 = vector.load %arg3[%get3A_163, %get3A_164, %get3A_165, %get3A_166] : memref<1x12x640x128xbf16, #tpu.memory_space<vmem>>, vector<1x1x640x128xbf16>
    %get3A_168 = vector.shape_cast %get3A_167 : vector<1x1x640x128xbf16> to vector<640x128xbf16>
    %dot_general3A_169 = arith.constant dense<0.000000e+00> : vector<640x128xf32>
    %dot_general3A_170 = tpu.matmul %mul3A_162, %get3A_168, %dot_general3A_169 {dimension_numbers = #tpu.dot_dimension_numbers<[1], [0], [0], [1], [0, 0, 1, 1], [], []>, transpose_lhs_hint = false} : vector<640x640xbf16>, vector<640x128xbf16>, vector<640x128xf32> -> vector<640x128xf32>
    %slice3A_171 = vector.extract_strided_slice %dot_general3A_170 {offsets = [0, 0], sizes = [640, 64], strides = [1, 1]} : vector<640x128xf32> to vector<640x64xf32>
    %slice3A_172 = vector.extract_strided_slice %dot_general3A_170 {offsets = [0, 64], sizes = [640, 1], strides = [1, 1]} : vector<640x128xf32> to vector<640x1xf32>
    %div3A_173 = vector.broadcast %slice3A_172 : vector<640x1xf32> to vector<640x64xf32>
    %div3A_174 = arith.divf %slice3A_171, %div3A_173 : vector<640x64xf32>
    %convert_element_type3A_175 = arith.truncf %div3A_174 : vector<640x64xf32> to vector<640x64xbf16>
    %get3A_176 = arith.constant 0 : index
    %get3A_177 = arith.constant 6 : index
    %get3A_178 = arith.constant 0 : index
    %get3A_179 = arith.constant 0 : index
    %get3A_180 = vector.load %arg1[%get3A_176, %get3A_177, %get3A_178, %get3A_179] : memref<1x12x640x64xbf16, #tpu.memory_space<vmem>>, vector<1x1x640x64xbf16>
    %get3A_181 = vector.shape_cast %get3A_180 : vector<1x1x640x64xbf16> to vector<640x64xbf16>
    %get3A_182 = arith.constant 0 : index
    %get3A_183 = arith.constant 6 : index
    %get3A_184 = arith.constant 0 : index
    %get3A_185 = arith.constant 0 : index
    %get3A_186 = vector.load %arg2[%get3A_182, %get3A_183, %get3A_184, %get3A_185] : memref<1x12x640x64xbf16, #tpu.memory_space<vmem>>, vector<1x1x640x64xbf16>
    %get3A_187 = vector.shape_cast %get3A_186 : vector<1x1x640x64xbf16> to vector<640x64xbf16>
    %dot_general3A_188 = arith.constant dense<0.000000e+00> : vector<640x640xf32>
    %dot_general3A_189 = tpu.matmul %get3A_181, %get3A_187, %dot_general3A_188 {dimension_numbers = #tpu.dot_dimension_numbers<[1], [1], [0], [0], [0, 0, 1, 0], [], []>, transpose_lhs_hint = false} : vector<640x64xbf16>, vector<640x64xbf16>, vector<640x640xf32> -> vector<640x640xf32>
    %convert_element_type3A_190 = arith.truncf %dot_general3A_189 : vector<640x640xf32> to vector<640x640xbf16>
    %exp3A_191 = math.exp %convert_element_type3A_190 : vector<640x640xbf16>
    %mul3A_192 = arith.mulf %exp3A_191, %get3A_1 : vector<640x640xbf16>
    %get3A_193 = arith.constant 0 : index
    %get3A_194 = arith.constant 6 : index
    %get3A_195 = arith.constant 0 : index
    %get3A_196 = arith.constant 0 : index
    %get3A_197 = vector.load %arg3[%get3A_193, %get3A_194, %get3A_195, %get3A_196] : memref<1x12x640x128xbf16, #tpu.memory_space<vmem>>, vector<1x1x640x128xbf16>
    %get3A_198 = vector.shape_cast %get3A_197 : vector<1x1x640x128xbf16> to vector<640x128xbf16>
    %dot_general3A_199 = arith.constant dense<0.000000e+00> : vector<640x128xf32>
    %dot_general3A_200 = tpu.matmul %mul3A_192, %get3A_198, %dot_general3A_199 {dimension_numbers = #tpu.dot_dimension_numbers<[1], [0], [0], [1], [0, 0, 1, 1], [], []>, transpose_lhs_hint = false} : vector<640x640xbf16>, vector<640x128xbf16>, vector<640x128xf32> -> vector<640x128xf32>
    %slice3A_201 = vector.extract_strided_slice %dot_general3A_200 {offsets = [0, 0], sizes = [640, 64], strides = [1, 1]} : vector<640x128xf32> to vector<640x64xf32>
    %slice3A_202 = vector.extract_strided_slice %dot_general3A_200 {offsets = [0, 64], sizes = [640, 1], strides = [1, 1]} : vector<640x128xf32> to vector<640x1xf32>
    %div3A_203 = vector.broadcast %slice3A_202 : vector<640x1xf32> to vector<640x64xf32>
    %div3A_204 = arith.divf %slice3A_201, %div3A_203 : vector<640x64xf32>
    %convert_element_type3A_205 = arith.truncf %div3A_204 : vector<640x64xf32> to vector<640x64xbf16>
    %get3A_206 = arith.constant 0 : index
    %get3A_207 = arith.constant 7 : index
    %get3A_208 = arith.constant 0 : index
    %get3A_209 = arith.constant 0 : index
    %get3A_210 = vector.load %arg1[%get3A_206, %get3A_207, %get3A_208, %get3A_209] : memref<1x12x640x64xbf16, #tpu.memory_space<vmem>>, vector<1x1x640x64xbf16>
    %get3A_211 = vector.shape_cast %get3A_210 : vector<1x1x640x64xbf16> to vector<640x64xbf16>
    %get3A_212 = arith.constant 0 : index
    %get3A_213 = arith.constant 7 : index
    %get3A_214 = arith.constant 0 : index
    %get3A_215 = arith.constant 0 : index
    %get3A_216 = vector.load %arg2[%get3A_212, %get3A_213, %get3A_214, %get3A_215] : memref<1x12x640x64xbf16, #tpu.memory_space<vmem>>, vector<1x1x640x64xbf16>
    %get3A_217 = vector.shape_cast %get3A_216 : vector<1x1x640x64xbf16> to vector<640x64xbf16>
    %dot_general3A_218 = arith.constant dense<0.000000e+00> : vector<640x640xf32>
    %dot_general3A_219 = tpu.matmul %get3A_211, %get3A_217, %dot_general3A_218 {dimension_numbers = #tpu.dot_dimension_numbers<[1], [1], [0], [0], [0, 0, 1, 0], [], []>, transpose_lhs_hint = false} : vector<640x64xbf16>, vector<640x64xbf16>, vector<640x640xf32> -> vector<640x640xf32>
    %convert_element_type3A_220 = arith.truncf %dot_general3A_219 : vector<640x640xf32> to vector<640x640xbf16>
    %exp3A_221 = math.exp %convert_element_type3A_220 : vector<640x640xbf16>
    %mul3A_222 = arith.mulf %exp3A_221, %get3A_1 : vector<640x640xbf16>
    %get3A_223 = arith.constant 0 : index
    %get3A_224 = arith.constant 7 : index
    %get3A_225 = arith.constant 0 : index
    %get3A_226 = arith.constant 0 : index
    %get3A_227 = vector.load %arg3[%get3A_223, %get3A_224, %get3A_225, %get3A_226] : memref<1x12x640x128xbf16, #tpu.memory_space<vmem>>, vector<1x1x640x128xbf16>
    %get3A_228 = vector.shape_cast %get3A_227 : vector<1x1x640x128xbf16> to vector<640x128xbf16>
    %dot_general3A_229 = arith.constant dense<0.000000e+00> : vector<640x128xf32>
    %dot_general3A_230 = tpu.matmul %mul3A_222, %get3A_228, %dot_general3A_229 {dimension_numbers = #tpu.dot_dimension_numbers<[1], [0], [0], [1], [0, 0, 1, 1], [], []>, transpose_lhs_hint = false} : vector<640x640xbf16>, vector<640x128xbf16>, vector<640x128xf32> -> vector<640x128xf32>
    %slice3A_231 = vector.extract_strided_slice %dot_general3A_230 {offsets = [0, 0], sizes = [640, 64], strides = [1, 1]} : vector<640x128xf32> to vector<640x64xf32>
    %slice3A_232 = vector.extract_strided_slice %dot_general3A_230 {offsets = [0, 64], sizes = [640, 1], strides = [1, 1]} : vector<640x128xf32> to vector<640x1xf32>
    %div3A_233 = vector.broadcast %slice3A_232 : vector<640x1xf32> to vector<640x64xf32>
    %div3A_234 = arith.divf %slice3A_231, %div3A_233 : vector<640x64xf32>
    %convert_element_type3A_235 = arith.truncf %div3A_234 : vector<640x64xf32> to vector<640x64xbf16>
    %get3A_236 = arith.constant 0 : index
    %get3A_237 = arith.constant 8 : index
    %get3A_238 = arith.constant 0 : index
    %get3A_239 = arith.constant 0 : index
    %get3A_240 = vector.load %arg1[%get3A_236, %get3A_237, %get3A_238, %get3A_239] : memref<1x12x640x64xbf16, #tpu.memory_space<vmem>>, vector<1x1x640x64xbf16>
    %get3A_241 = vector.shape_cast %get3A_240 : vector<1x1x640x64xbf16> to vector<640x64xbf16>
    %get3A_242 = arith.constant 0 : index
    %get3A_243 = arith.constant 8 : index
    %get3A_244 = arith.constant 0 : index
    %get3A_245 = arith.constant 0 : index
    %get3A_246 = vector.load %arg2[%get3A_242, %get3A_243, %get3A_244, %get3A_245] : memref<1x12x640x64xbf16, #tpu.memory_space<vmem>>, vector<1x1x640x64xbf16>
    %get3A_247 = vector.shape_cast %get3A_246 : vector<1x1x640x64xbf16> to vector<640x64xbf16>
    %dot_general3A_248 = arith.constant dense<0.000000e+00> : vector<640x640xf32>
    %dot_general3A_249 = tpu.matmul %get3A_241, %get3A_247, %dot_general3A_248 {dimension_numbers = #tpu.dot_dimension_numbers<[1], [1], [0], [0], [0, 0, 1, 0], [], []>, transpose_lhs_hint = false} : vector<640x64xbf16>, vector<640x64xbf16>, vector<640x640xf32> -> vector<640x640xf32>
    %convert_element_type3A_250 = arith.truncf %dot_general3A_249 : vector<640x640xf32> to vector<640x640xbf16>
    %exp3A_251 = math.exp %convert_element_type3A_250 : vector<640x640xbf16>
    %mul3A_252 = arith.mulf %exp3A_251, %get3A_1 : vector<640x640xbf16>
    %get3A_253 = arith.constant 0 : index
    %get3A_254 = arith.constant 8 : index
    %get3A_255 = arith.constant 0 : index
    %get3A_256 = arith.constant 0 : index
    %get3A_257 = vector.load %arg3[%get3A_253, %get3A_254, %get3A_255, %get3A_256] : memref<1x12x640x128xbf16, #tpu.memory_space<vmem>>, vector<1x1x640x128xbf16>
    %get3A_258 = vector.shape_cast %get3A_257 : vector<1x1x640x128xbf16> to vector<640x128xbf16>
    %dot_general3A_259 = arith.constant dense<0.000000e+00> : vector<640x128xf32>
    %dot_general3A_260 = tpu.matmul %mul3A_252, %get3A_258, %dot_general3A_259 {dimension_numbers = #tpu.dot_dimension_numbers<[1], [0], [0], [1], [0, 0, 1, 1], [], []>, transpose_lhs_hint = false} : vector<640x640xbf16>, vector<640x128xbf16>, vector<640x128xf32> -> vector<640x128xf32>
    %slice3A_261 = vector.extract_strided_slice %dot_general3A_260 {offsets = [0, 0], sizes = [640, 64], strides = [1, 1]} : vector<640x128xf32> to vector<640x64xf32>
    %slice3A_262 = vector.extract_strided_slice %dot_general3A_260 {offsets = [0, 64], sizes = [640, 1], strides = [1, 1]} : vector<640x128xf32> to vector<640x1xf32>
    %div3A_263 = vector.broadcast %slice3A_262 : vector<640x1xf32> to vector<640x64xf32>
    %div3A_264 = arith.divf %slice3A_261, %div3A_263 : vector<640x64xf32>
    %convert_element_type3A_265 = arith.truncf %div3A_264 : vector<640x64xf32> to vector<640x64xbf16>
    %get3A_266 = arith.constant 0 : index
    %get3A_267 = arith.constant 9 : index
    %get3A_268 = arith.constant 0 : index
    %get3A_269 = arith.constant 0 : index
    %get3A_270 = vector.load %arg1[%get3A_266, %get3A_267, %get3A_268, %get3A_269] : memref<1x12x640x64xbf16, #tpu.memory_space<vmem>>, vector<1x1x640x64xbf16>
    %get3A_271 = vector.shape_cast %get3A_270 : vector<1x1x640x64xbf16> to vector<640x64xbf16>
    %get3A_272 = arith.constant 0 : index
    %get3A_273 = arith.constant 9 : index
    %get3A_274 = arith.constant 0 : index
    %get3A_275 = arith.constant 0 : index
    %get3A_276 = vector.load %arg2[%get3A_272, %get3A_273, %get3A_274, %get3A_275] : memref<1x12x640x64xbf16, #tpu.memory_space<vmem>>, vector<1x1x640x64xbf16>
    %get3A_277 = vector.shape_cast %get3A_276 : vector<1x1x640x64xbf16> to vector<640x64xbf16>
    %dot_general3A_278 = arith.constant dense<0.000000e+00> : vector<640x640xf32>
    %dot_general3A_279 = tpu.matmul %get3A_271, %get3A_277, %dot_general3A_278 {dimension_numbers = #tpu.dot_dimension_numbers<[1], [1], [0], [0], [0, 0, 1, 0], [], []>, transpose_lhs_hint = false} : vector<640x64xbf16>, vector<640x64xbf16>, vector<640x640xf32> -> vector<640x640xf32>
    %convert_element_type3A_280 = arith.truncf %dot_general3A_279 : vector<640x640xf32> to vector<640x640xbf16>
    %exp3A_281 = math.exp %convert_element_type3A_280 : vector<640x640xbf16>
    %mul3A_282 = arith.mulf %exp3A_281, %get3A_1 : vector<640x640xbf16>
    %get3A_283 = arith.constant 0 : index
    %get3A_284 = arith.constant 9 : index
    %get3A_285 = arith.constant 0 : index
    %get3A_286 = arith.constant 0 : index
    %get3A_287 = vector.load %arg3[%get3A_283, %get3A_284, %get3A_285, %get3A_286] : memref<1x12x640x128xbf16, #tpu.memory_space<vmem>>, vector<1x1x640x128xbf16>
    %get3A_288 = vector.shape_cast %get3A_287 : vector<1x1x640x128xbf16> to vector<640x128xbf16>
    %dot_general3A_289 = arith.constant dense<0.000000e+00> : vector<640x128xf32>
    %dot_general3A_290 = tpu.matmul %mul3A_282, %get3A_288, %dot_general3A_289 {dimension_numbers = #tpu.dot_dimension_numbers<[1], [0], [0], [1], [0, 0, 1, 1], [], []>, transpose_lhs_hint = false} : vector<640x640xbf16>, vector<640x128xbf16>, vector<640x128xf32> -> vector<640x128xf32>
    %slice3A_291 = vector.extract_strided_slice %dot_general3A_290 {offsets = [0, 0], sizes = [640, 64], strides = [1, 1]} : vector<640x128xf32> to vector<640x64xf32>
    %slice3A_292 = vector.extract_strided_slice %dot_general3A_290 {offsets = [0, 64], sizes = [640, 1], strides = [1, 1]} : vector<640x128xf32> to vector<640x1xf32>
    %div3A_293 = vector.broadcast %slice3A_292 : vector<640x1xf32> to vector<640x64xf32>
    %div3A_294 = arith.divf %slice3A_291, %div3A_293 : vector<640x64xf32>
    %convert_element_type3A_295 = arith.truncf %div3A_294 : vector<640x64xf32> to vector<640x64xbf16>
    %get3A_296 = arith.constant 0 : index
    %get3A_297 = arith.constant 10 : index
    %get3A_298 = arith.constant 0 : index
    %get3A_299 = arith.constant 0 : index
    %get3A_300 = vector.load %arg1[%get3A_296, %get3A_297, %get3A_298, %get3A_299] : memref<1x12x640x64xbf16, #tpu.memory_space<vmem>>, vector<1x1x640x64xbf16>
    %get3A_301 = vector.shape_cast %get3A_300 : vector<1x1x640x64xbf16> to vector<640x64xbf16>
    %get3A_302 = arith.constant 0 : index
    %get3A_303 = arith.constant 10 : index
    %get3A_304 = arith.constant 0 : index
    %get3A_305 = arith.constant 0 : index
    %get3A_306 = vector.load %arg2[%get3A_302, %get3A_303, %get3A_304, %get3A_305] : memref<1x12x640x64xbf16, #tpu.memory_space<vmem>>, vector<1x1x640x64xbf16>
    %get3A_307 = vector.shape_cast %get3A_306 : vector<1x1x640x64xbf16> to vector<640x64xbf16>
    %dot_general3A_308 = arith.constant dense<0.000000e+00> : vector<640x640xf32>
    %dot_general3A_309 = tpu.matmul %get3A_301, %get3A_307, %dot_general3A_308 {dimension_numbers = #tpu.dot_dimension_numbers<[1], [1], [0], [0], [0, 0, 1, 0], [], []>, transpose_lhs_hint = false} : vector<640x64xbf16>, vector<640x64xbf16>, vector<640x640xf32> -> vector<640x640xf32>
    %convert_element_type3A_310 = arith.truncf %dot_general3A_309 : vector<640x640xf32> to vector<640x640xbf16>
    %exp3A_311 = math.exp %convert_element_type3A_310 : vector<640x640xbf16>
    %mul3A_312 = arith.mulf %exp3A_311, %get3A_1 : vector<640x640xbf16>
    %get3A_313 = arith.constant 0 : index
    %get3A_314 = arith.constant 10 : index
    %get3A_315 = arith.constant 0 : index
    %get3A_316 = arith.constant 0 : index
    %get3A_317 = vector.load %arg3[%get3A_313, %get3A_314, %get3A_315, %get3A_316] : memref<1x12x640x128xbf16, #tpu.memory_space<vmem>>, vector<1x1x640x128xbf16>
    %get3A_318 = vector.shape_cast %get3A_317 : vector<1x1x640x128xbf16> to vector<640x128xbf16>
    %dot_general3A_319 = arith.constant dense<0.000000e+00> : vector<640x128xf32>
    %dot_general3A_320 = tpu.matmul %mul3A_312, %get3A_318, %dot_general3A_319 {dimension_numbers = #tpu.dot_dimension_numbers<[1], [0], [0], [1], [0, 0, 1, 1], [], []>, transpose_lhs_hint = false} : vector<640x640xbf16>, vector<640x128xbf16>, vector<640x128xf32> -> vector<640x128xf32>
    %slice3A_321 = vector.extract_strided_slice %dot_general3A_320 {offsets = [0, 0], sizes = [640, 64], strides = [1, 1]} : vector<640x128xf32> to vector<640x64xf32>
    %slice3A_322 = vector.extract_strided_slice %dot_general3A_320 {offsets = [0, 64], sizes = [640, 1], strides = [1, 1]} : vector<640x128xf32> to vector<640x1xf32>
    %div3A_323 = vector.broadcast %slice3A_322 : vector<640x1xf32> to vector<640x64xf32>
    %div3A_324 = arith.divf %slice3A_321, %div3A_323 : vector<640x64xf32>
    %convert_element_type3A_325 = arith.truncf %div3A_324 : vector<640x64xf32> to vector<640x64xbf16>
    %get3A_326 = arith.constant 0 : index
    %get3A_327 = arith.constant 11 : index
    %get3A_328 = arith.constant 0 : index
    %get3A_329 = arith.constant 0 : index
    %get3A_330 = vector.load %arg1[%get3A_326, %get3A_327, %get3A_328, %get3A_329] : memref<1x12x640x64xbf16, #tpu.memory_space<vmem>>, vector<1x1x640x64xbf16>
    %get3A_331 = vector.shape_cast %get3A_330 : vector<1x1x640x64xbf16> to vector<640x64xbf16>
    %get3A_332 = arith.constant 0 : index
    %get3A_333 = arith.constant 11 : index
    %get3A_334 = arith.constant 0 : index
    %get3A_335 = arith.constant 0 : index
    %get3A_336 = vector.load %arg2[%get3A_332, %get3A_333, %get3A_334, %get3A_335] : memref<1x12x640x64xbf16, #tpu.memory_space<vmem>>, vector<1x1x640x64xbf16>
    %get3A_337 = vector.shape_cast %get3A_336 : vector<1x1x640x64xbf16> to vector<640x64xbf16>
    %dot_general3A_338 = arith.constant dense<0.000000e+00> : vector<640x640xf32>
    %dot_general3A_339 = tpu.matmul %get3A_331, %get3A_337, %dot_general3A_338 {dimension_numbers = #tpu.dot_dimension_numbers<[1], [1], [0], [0], [0, 0, 1, 0], [], []>, transpose_lhs_hint = false} : vector<640x64xbf16>, vector<640x64xbf16>, vector<640x640xf32> -> vector<640x640xf32>
    %convert_element_type3A_340 = arith.truncf %dot_general3A_339 : vector<640x640xf32> to vector<640x640xbf16>
    %exp3A_341 = math.exp %convert_element_type3A_340 : vector<640x640xbf16>
    %mul3A_342 = arith.mulf %exp3A_341, %get3A_1 : vector<640x640xbf16>
    %get3A_343 = arith.constant 0 : index
    %get3A_344 = arith.constant 11 : index
    %get3A_345 = arith.constant 0 : index
    %get3A_346 = arith.constant 0 : index
    %get3A_347 = vector.load %arg3[%get3A_343, %get3A_344, %get3A_345, %get3A_346] : memref<1x12x640x128xbf16, #tpu.memory_space<vmem>>, vector<1x1x640x128xbf16>
    %get3A_348 = vector.shape_cast %get3A_347 : vector<1x1x640x128xbf16> to vector<640x128xbf16>
    %dot_general3A_349 = arith.constant dense<0.000000e+00> : vector<640x128xf32>
    %dot_general3A_350 = tpu.matmul %mul3A_342, %get3A_348, %dot_general3A_349 {dimension_numbers = #tpu.dot_dimension_numbers<[1], [0], [0], [1], [0, 0, 1, 1], [], []>, transpose_lhs_hint = false} : vector<640x640xbf16>, vector<640x128xbf16>, vector<640x128xf32> -> vector<640x128xf32>
    %slice3A_351 = vector.extract_strided_slice %dot_general3A_350 {offsets = [0, 0], sizes = [640, 64], strides = [1, 1]} : vector<640x128xf32> to vector<640x64xf32>
    %slice3A_352 = vector.extract_strided_slice %dot_general3A_350 {offsets = [0, 64], sizes = [640, 1], strides = [1, 1]} : vector<640x128xf32> to vector<640x1xf32>
    %div3A_353 = vector.broadcast %slice3A_352 : vector<640x1xf32> to vector<640x64xf32>
    %div3A_354 = arith.divf %slice3A_351, %div3A_353 : vector<640x64xf32>
    %convert_element_type3A_355 = arith.truncf %div3A_354 : vector<640x64xf32> to vector<640x64xbf16>
    %concatenate3A = tpu.concatenate %convert_element_type3A_25, %convert_element_type3A_55, %convert_element_type3A_85, %convert_element_type3A_115, %convert_element_type3A_145, %convert_element_type3A_175, %convert_element_type3A_205, %convert_element_type3A_235, %convert_element_type3A_265, %convert_element_type3A_295, %convert_element_type3A_325, %convert_element_type3A_355 in 1 : vector<640x64xbf16>, vector<640x64xbf16>, vector<640x64xbf16>, vector<640x64xbf16>, vector<640x64xbf16>, vector<640x64xbf16>, vector<640x64xbf16>, vector<640x64xbf16>, vector<640x64xbf16>, vector<640x64xbf16>, vector<640x64xbf16>, vector<640x64xbf16> -> vector<640x768xbf16>
    %get3A_356 = arith.constant 0 : index
    %get3A_357 = arith.constant 0 : index
    %get3A_358 = vector.load %arg6[%get3A_356, %get3A_357] : memref<768x768xbf16, #tpu.memory_space<vmem>>, vector<768x768xbf16>
    %dot_general3A_359 = arith.constant dense<0.000000e+00> : vector<640x768xf32>
    %dot_general3A_360 = tpu.matmul %concatenate3A, %get3A_358, %dot_general3A_359 {dimension_numbers = #tpu.dot_dimension_numbers<[1], [0], [0], [1], [0, 0, 1, 1], [], []>, transpose_lhs_hint = false} : vector<640x768xbf16>, vector<768x768xbf16>, vector<640x768xf32> -> vector<640x768xf32>
    %get3A_361 = arith.constant 0 : index
    %get3A_362 = arith.constant 0 : index
    %get3A_363 = vector.load %arg7[%get3A_361, %get3A_362] : memref<1x768xf32, #tpu.memory_space<vmem>>, vector<1x768xf32>
    %add3A = vector.broadcast %get3A_363 : vector<1x768xf32> to vector<640x768xf32>
    %add3A_364 = arith.addf %dot_general3A_360, %add3A : vector<640x768xf32>
    %get3A_365 = arith.constant 0 : index
    %get3A_366 = arith.constant 0 : index
    %get3A_367 = arith.constant 0 : index
    %get3A_368 = vector.load %arg5[%get3A_365, %get3A_366, %get3A_367] : memref<1x640x768xf32, #tpu.memory_space<vmem>>, vector<1x640x768xf32>
    %get3A_369 = vector.shape_cast %get3A_368 : vector<1x640x768xf32> to vector<640x768xf32>
    %add3A_370 = arith.addf %get3A_369, %add3A_364 : vector<640x768xf32>
    %reduce_sum3A = arith.constant dense<0.000000e+00> : vector<640xf32>
    %reduce_sum3A_371 = vector.multi_reduction <add>, %add3A_370, %reduce_sum3A [1] : vector<640x768xf32> to vector<640xf32>
    %broadcast_in_dim3A = vector.shape_cast %reduce_sum3A_371 : vector<640xf32> to vector<640x1xf32>
    %div3A_372 = arith.constant 7.680000e+02 : f32
    %div3A_373 = vector.broadcast %div3A_372 : f32 to vector<640x1xf32>
    %div3A_374 = arith.divf %broadcast_in_dim3A, %div3A_373 : vector<640x1xf32>
    %sub3A = vector.broadcast %div3A_374 : vector<640x1xf32> to vector<640x768xf32>
    %sub3A_375 = arith.subf %add3A_370, %sub3A : vector<640x768xf32>
    %integer_pow3A = arith.mulf %sub3A_375, %sub3A_375 : vector<640x768xf32>
    %reduce_sum3A_376 = arith.constant dense<0.000000e+00> : vector<640xf32>
    %reduce_sum3A_377 = vector.multi_reduction <add>, %integer_pow3A, %reduce_sum3A_376 [1] : vector<640x768xf32> to vector<640xf32>
    %broadcast_in_dim3A_378 = vector.shape_cast %reduce_sum3A_377 : vector<640xf32> to vector<640x1xf32>
    %div3A_379 = arith.constant 7.680000e+02 : f32
    %div3A_380 = vector.broadcast %div3A_379 : f32 to vector<640x1xf32>
    %div3A_381 = arith.divf %broadcast_in_dim3A_378, %div3A_380 : vector<640x1xf32>
    %sub3A_382 = vector.broadcast %div3A_374 : vector<640x1xf32> to vector<640x768xf32>
    %sub3A_383 = arith.subf %add3A_370, %sub3A_382 : vector<640x768xf32>
    %add3A_384 = arith.constant 9.99999974E-6 : f32
    %add3A_385 = vector.broadcast %add3A_384 : f32 to vector<640x1xf32>
    %add3A_386 = arith.addf %div3A_381, %add3A_385 : vector<640x1xf32>
    %rsqrt3A = math.rsqrt %add3A_386 : vector<640x1xf32>
    %mul3A_387 = vector.broadcast %rsqrt3A : vector<640x1xf32> to vector<640x768xf32>
    %mul3A_388 = arith.mulf %sub3A_383, %mul3A_387 : vector<640x768xf32>
    %get3A_389 = arith.constant 0 : index
    %get3A_390 = arith.constant 0 : index
    %get3A_391 = vector.load %arg8[%get3A_389, %get3A_390] : memref<1x768xf32, #tpu.memory_space<vmem>>, vector<1x768xf32>
    %mul3A_392 = vector.broadcast %get3A_391 : vector<1x768xf32> to vector<640x768xf32>
    %mul3A_393 = arith.mulf %mul3A_388, %mul3A_392 : vector<640x768xf32>
    %get3A_394 = arith.constant 0 : index
    %get3A_395 = arith.constant 0 : index
    %get3A_396 = vector.load %arg9[%get3A_394, %get3A_395] : memref<1x768xf32, #tpu.memory_space<vmem>>, vector<1x768xf32>
    %add3A_397 = vector.broadcast %get3A_396 : vector<1x768xf32> to vector<640x768xf32>
    %add3A_398 = arith.addf %mul3A_393, %add3A_397 : vector<640x768xf32>
    %convert_element_type3A_399 = arith.truncf %add3A_398 : vector<640x768xf32> to vector<640x768xbf16>
    %get3A_400 = arith.constant 0 : index
    %get3A_401 = arith.constant 0 : index
    %get3A_402 = vector.load %arg10[%get3A_400, %get3A_401] : memref<768x3072xbf16, #tpu.memory_space<vmem>>, vector<768x3072xbf16>
    %dot_general3A_403 = arith.constant dense<0.000000e+00> : vector<640x3072xf32>
    %dot_general3A_404 = tpu.matmul %convert_element_type3A_399, %get3A_402, %dot_general3A_403 {dimension_numbers = #tpu.dot_dimension_numbers<[1], [0], [0], [1], [0, 0, 1, 1], [], []>, transpose_lhs_hint = false} : vector<640x768xbf16>, vector<768x3072xbf16>, vector<640x3072xf32> -> vector<640x3072xf32>
    %get3A_405 = arith.constant 0 : index
    %get3A_406 = arith.constant 0 : index
    %get3A_407 = vector.load %arg11[%get3A_405, %get3A_406] : memref<1x3072xf32, #tpu.memory_space<vmem>>, vector<1x3072xf32>
    %add3A_408 = vector.broadcast %get3A_407 : vector<1x3072xf32> to vector<640x3072xf32>
    %add3A_409 = arith.addf %dot_general3A_404, %add3A_408 : vector<640x3072xf32>
    %mul3A_410 = arith.constant 0.707106769 : f32
    %mul3A_411 = vector.broadcast %mul3A_410 : f32 to vector<640x3072xf32>
    %mul3A_412 = arith.mulf %add3A_409, %mul3A_411 : vector<640x3072xf32>
    %erf3A = math.erf %mul3A_412 : vector<640x3072xf32>
    %mul3A_413 = arith.constant 5.000000e-01 : f32
    %mul3A_414 = vector.broadcast %mul3A_413 : f32 to vector<640x3072xf32>
    %mul3A_415 = arith.mulf %mul3A_414, %erf3A : vector<640x3072xf32>
    %add3A_416 = arith.constant 5.000000e-01 : f32
    %add3A_417 = vector.broadcast %add3A_416 : f32 to vector<640x3072xf32>
    %add3A_418 = arith.addf %mul3A_415, %add3A_417 : vector<640x3072xf32>
    %mul3A_419 = arith.mulf %add3A_409, %add3A_418 : vector<640x3072xf32>
    %convert_element_type3A_420 = arith.truncf %mul3A_419 : vector<640x3072xf32> to vector<640x3072xbf16>
    %get3A_421 = arith.constant 0 : index
    %get3A_422 = arith.constant 0 : index
    %get3A_423 = vector.load %arg12[%get3A_421, %get3A_422] : memref<3072x768xbf16, #tpu.memory_space<vmem>>, vector<3072x768xbf16>
    %dot_general3A_424 = arith.constant dense<0.000000e+00> : vector<640x768xf32>
    %dot_general3A_425 = tpu.matmul %convert_element_type3A_420, %get3A_423, %dot_general3A_424 {dimension_numbers = #tpu.dot_dimension_numbers<[1], [0], [0], [1], [0, 0, 1, 1], [], []>, transpose_lhs_hint = false} : vector<640x3072xbf16>, vector<3072x768xbf16>, vector<640x768xf32> -> vector<640x768xf32>
    %get3A_426 = arith.constant 0 : index
    %get3A_427 = arith.constant 0 : index
    %get3A_428 = vector.load %arg13[%get3A_426, %get3A_427] : memref<1x768xf32, #tpu.memory_space<vmem>>, vector<1x768xf32>
    %add3A_429 = vector.broadcast %get3A_428 : vector<1x768xf32> to vector<640x768xf32>
    %add3A_430 = arith.addf %dot_general3A_425, %add3A_429 : vector<640x768xf32>
    %add3A_431 = arith.addf %add3A_370, %add3A_430 : vector<640x768xf32>
    %swap3A = arith.constant 0 : index
    %swap3A_432 = arith.constant 0 : index
    %swap3A_433 = arith.constant 0 : index
    %swap3A_434 = vector.load %arg14[%swap3A, %swap3A_432, %swap3A_433] : memref<1x640x768xf32, #tpu.memory_space<vmem>>, vector<1x640x768xf32>
    %swap3A_435 = vector.shape_cast %swap3A_434 : vector<1x640x768xf32> to vector<640x768xf32>
    %swap3A_436 = vector.shape_cast %add3A_431 : vector<640x768xf32> to vector<1x640x768xf32>
    tpu.vector_store %arg14[%swap3A, %swap3A_432, %swap3A_433], %swap3A_436 {strides = array<i32>} : memref<1x640x768xf32, #tpu.memory_space<vmem>>, vector<1x640x768xf32>,
    return
  }
  func.func @transform_0(%arg0: i32) -> (i32, i32, i32, i32) {
    %c0_i32 = arith.constant 0 : i32
    %c0_i32_0 = arith.constant 0 : i32
    %c0_i32_1 = arith.constant 0 : i32
    %c0_i32_2 = arith.constant 0 : i32
    return %arg0, %c0_i32, %c0_i32_0, %c0_i32_1 : i32, i32, i32, i32
  }
  func.func @transform_1(%arg0: i32) -> (i32, i32, i32, i32) {
    %c0_i32 = arith.constant 0 : i32
    %c0_i32_0 = arith.constant 0 : i32
    %c0_i32_1 = arith.constant 0 : i32
    %c0_i32_2 = arith.constant 0 : i32
    return %arg0, %c0_i32, %c0_i32_0, %c0_i32_1 : i32, i32, i32, i32
  }
  func.func @transform_2(%arg0: i32) -> (i32, i32, i32, i32) {
    %c0_i32 = arith.constant 0 : i32
    %c0_i32_0 = arith.constant 0 : i32
    %c0_i32_1 = arith.constant 0 : i32
    %c0_i32_2 = arith.constant 0 : i32
    return %arg0, %c0_i32, %c0_i32_0, %c0_i32_1 : i32, i32, i32, i32
  }
  func.func @transform_3(%arg0: i32) -> (i32, i32) {
    %c0_i32 = arith.constant 0 : i32
    %c0_i32_0 = arith.constant 0 : i32
    %c0_i32_1 = arith.constant 0 : i32
    return %c0_i32, %c0_i32_0 : i32, i32
  }
  func.func @transform_4(%arg0: i32) -> (i32, i32, i32) {
    %c0_i32 = arith.constant 0 : i32
    %c0_i32_0 = arith.constant 0 : i32
    %c0_i32_1 = arith.constant 0 : i32
    return %arg0, %c0_i32, %c0_i32_0 : i32, i32, i32
  }
  func.func @transform_5(%arg0: i32) -> (i32, i32) {
    %c0_i32 = arith.constant 0 : i32
    %c0_i32_0 = arith.constant 0 : i32
    %c0_i32_1 = arith.constant 0 : i32
    return %c0_i32, %c0_i32_0 : i32, i32
  }
  func.func @transform_6(%arg0: i32) -> (i32, i32) {
    %c0_i32 = arith.constant 0 : i32
    %c0_i32_0 = arith.constant 0 : i32
    %c0_i32_1 = arith.constant 0 : i32
    return %c0_i32, %c0_i32_0 : i32, i32
  }
  func.func @transform_7(%arg0: i32) -> (i32, i32) {
    %c0_i32 = arith.constant 0 : i32
    %c0_i32_0 = arith.constant 0 : i32
    %c0_i32_1 = arith.constant 0 : i32
    return %c0_i32, %c0_i32_0 : i32, i32
  }
  func.func @transform_8(%arg0: i32) -> (i32, i32) {
    %c0_i32 = arith.constant 0 : i32
    %c0_i32_0 = arith.constant 0 : i32
    %c0_i32_1 = arith.constant 0 : i32
    return %c0_i32, %c0_i32_0 : i32, i32
  }
  func.func @transform_9(%arg0: i32) -> (i32, i32) {
    %c0_i32 = arith.constant 0 : i32
    %c0_i32_0 = arith.constant 0 : i32
    %c0_i32_1 = arith.constant 0 : i32
    return %c0_i32, %c0_i32_0 : i32, i32
  }
  func.func @transform_10(%arg0: i32) -> (i32, i32) {
    %c0_i32 = arith.constant 0 : i32
    %c0_i32_0 = arith.constant 0 : i32
    %c0_i32_1 = arith.constant 0 : i32
    return %c0_i32, %c0_i32_0 : i32, i32
  }
  func.func @transform_11(%arg0: i32) -> (i32, i32) {
    %c0_i32 = arith.constant 0 : i32
    %c0_i32_0 = arith.constant 0 : i32
    %c0_i32_1 = arith.constant 0 : i32
    return %c0_i32, %c0_i32_0 : i32, i32
  }
  func.func @transform_12(%arg0: i32) -> (i32, i32) {
    %c0_i32 = arith.constant 0 : i32
    %c0_i32_0 = arith.constant 0 : i32
    %c0_i32_1 = arith.constant 0 : i32
    return %c0_i32, %c0_i32_0 : i32, i32
  }
  func.func @transform_13(%arg0: i32) -> (i32, i32, i32) {
    %c0_i32 = arith.constant 0 : i32
    %c0_i32_0 = arith.constant 0 : i32
    %c0_i32_1 = arith.constant 0 : i32
    return %arg0, %c0_i32, %c0_i32_0 : i32, i32, i32
  }
}

</mosaic_0001>

<sc_bundles>
// kernel: kernel.5.cloned.1.call-start
scs
__scs_entry_jumppad:
0x0: {  	(pc) =	sbr.rel $0x88, $3  }
0x1: {  	(tag) =	ssettag $0x0;
	lr =	simm.s32 $0x1  }
0x2: {  	[smem:$0x3F93] =	sst lr;
	_ =	strace $0xD0000000  }
0x3: {  	_ = 	snop  }
0x4: {  	_ = 	snop  }
0x5: {  	_ = 	snop  }
0x6: {  	_ = 	snop  }
0x7: {  	_ = 	snop  }
__scs_overlays_trampoline_lowered:
0x8: {  	[smem:$0x3FA2] =	sst s0  }
0x9: {  	[smem:$0x3FA3] =	sst s1  }
0xa: {  	[smem:$0x3FA4] =	sst s2  }
0xb: {  	[smem:$0x3FA5] =	sst s3  }
0xc: {  	[smem:$0x3FA6] =	sst s4  }
0xd: {  	[smem:$0x3FA7] =	sst s5  }
0xe: {  	[smem:$0x3FA8] =	sst s6  }
0xf: {  	[smem:$0x3FA9] =	sst s7  }
0x10: {  	[smem:$0x3FAA] =	sst s8  }
0x11: {  	[smem:$0x3FAB] =	sst s9;
	s0 =	simm.s32 @!p0 $0x0  }
0x12: {  	s1 =	sld [smem:$0x3F91];
	s0 =	simm.s32 @p0 $0x1  }
0x13: {  	[smem:$0x3FAC] =	sst s0;
	s0 =	simm.s32 @!p1 $0x0  }
0x14: {  	s2 =	sld [smem:$0x3F90];
	s0 =	simm.s32 @p1 $0x1  }
0x15: {  	[smem:$0x3FAD] =	sst s0;
	s0 =	simm.s32 @!p2 $0x0  }
0x16: {  	s3 =	sld [smem:$0x3FDB];
	s0 =	simm.s32 @p2 $0x1  }
0x17: {  	s4 =	simm.s32 $0x1BF5;
	[smem:$0x3FAF] =	sst s0  }
0x18: {  	s0 =	sld [smem:$0x3F92];
	_ =	swait.ge [sflag:s4], $0x0  }
0x19: {  	s7 =	sld [smem:$0x3F93]  }
0x1a: {  	s8 =	sadd.s32 $0xFFFFE003, lr  }
0x1b: {  	s9 =	sadd.s32 $0xFFFFFEF7, lr;
	s5 =	simm.s32 $0xFFFFFFFF;
	p2 =	slt.u32 s8, $0xFFFFF086  }
0x1c: {  	p1 =	slt.u32 s9, $0xF7A;
	s5 =	simm.s32 @!p2 $0x0  }
0x1d: {  	s5 =	simm.s32 @p1 $0x1;
	p0 =	seq.s32 s7, s2  }
0x1e: {  	s7 =	smul.u32 @!p0 $0xF7A, s2;
	p2 =	seq.s32 @!p0 s5, $0x0  }
0x1f: {  	s9 =	smul.u32 $0xF7A, s1;
	s8 =	simm.s32 @!p0 $0x1BF5;
	p2 =	por !p2, p0  }
0x20: {  	[sflag:s8] =	ssyncset.s32 @!p0 $0xFFFFF086;
	s6 =	sadd.s32 @!p0 s3, s7;
	s7 =	simm.s32 @!p0 $0x108  }
0x21: {  	s3 =	sadd.s32 s3, s9;
	s6 =	sadd.s32 @!p0 $0x88, s6;
	s7 =	simm.s32 @p2 $0x1082  }
0x22: {  	[simem:s7], [sflag:s8] =	dma.local @!p0 [hbm:s6], $0xF7A  }
0x23: {  	s9 =	sor.u32 $0xD0000000, s2;
	s6 =	simm.s32 $0x108;
	_ =	swait.ge @!p0 [sflag:s8], $0x0  }
0x24: {  	s3 =	sadd.s32 $0x88, s3;
	s6 =	simm.s32 @!p1 $0x1082;
	[sflag:s4] =	ssyncset.s32 $0xFFFFF086  }
0x25: {  	[simem:s6], [sflag:s4] =	dma.local [hbm:s3], $0xF7A  }
0x26: {  	[smem:$0x3F93] =	sst s1;
	(tag) =	ssettag s2;
	_ =	strace s9  }
0x27: {  	s1 =	sld [smem:$0x3FA3]  }
0x28: {  	s2 =	sld [smem:$0x3FA4]  }
0x29: {  	s4 =	sld [smem:$0x3FA6]  }
0x2a: {  	p0 =	seq.s32 s5, $0x0;
	s5 =	sld [smem:$0x3FA7]  }
0x2b: {  	s6 =	sld [smem:$0x3FA8]  }
0x2c: {  	s7 =	sld [smem:$0x3FA9]  }
0x2d: {  	s3 =	simm.s32 $0x108;
	s8 =	sld [smem:$0x3FAA]  }
0x2e: {  	s3 =	simm.s32 @!p0 $0x1082;
	s9 =	sld [smem:$0x3FAB]  }
0x2f: {  	lr =	sadd.s32 s0, s3;
	s0 =	sld [smem:$0x3FA2]  }
0x30: {  	s3 =	sld [smem:$0x3FA5]  }
0x31: {  	[smem:$0x3FAE] =	sst s10  }
0x32: {  	s10 =	sld [smem:$0x3FAC];
	_ =	sdelay $0x3  }
0x33: {  	p0 =	seq.s32 s10, $0x1;
	s10 =	sld [smem:$0x3FAE];
	_ =	sdelay $0x3  }
0x34: {  	[smem:$0x3FAE] =	sst s10  }
0x35: {  	s10 =	sld [smem:$0x3FAD];
	_ =	sdelay $0x3  }
0x36: {  	p1 =	seq.s32 s10, $0x1;
	s10 =	sld [smem:$0x3FAE];
	_ =	sdelay $0x3  }
0x37: {  	[smem:$0x3FAE] =	sst s10  }
0x38: {  	s10 =	sld [smem:$0x3FAF]  }
0x39: {  	_ = 	snop;
	(pc) =	sbr.ind lr, $3  }
0x3a: {  	_ = 	snop  }
0x3b: {  	_ = 	snop  }
0x3c: {  	p2 =	seq.s32 s10, $0x1;
	s10 =	sld [smem:$0x3FAE]  }
0x3d: {  	_ =	shalt  }
0x3e: {  	_ =	shalt  }
0x3f: {  	_ =	shalt  }
0x40: {  	_ =	shalt  }
0x41: {  	_ =	shalt  }
0x42: {  	_ =	shalt  }
0x43: {  	_ =	shalt  }
0x44: {  	_ =	shalt  }
0x45: {  	_ =	shalt  }
0x46: {  	_ =	shalt  }
0x47: {  	_ =	shalt  }
0x48: {  	_ =	shalt  }
0x49: {  	_ =	shalt  }
0x4a: {  	_ =	shalt  }
0x4b: {  	_ =	shalt  }
0x4c: {  	_ =	shalt  }
0x4d: {  	_ =	shalt  }
0x4e: {  	_ =	shalt  }
0x4f: {  	_ =	shalt  }
0x50: {  	_ =	shalt  }
0x51: {  	_ =	shalt  }
0x52: {  	_ =	shalt  }
0x53: {  	_ =	shalt  }
0x54: {  	_ =	shalt  }
0x55: {  	_ =	shalt  }
0x56: {  	_ =	shalt  }
0x57: {  	_ =	shalt  }
0x58: {  	_ =	shalt  }
0x59: {  	_ =	shalt  }
0x5a: {  	_ =	shalt  }
0x5b: {  	_ =	shalt  }
0x5c: {  	_ =	shalt  }
0x5d: {  	_ =	shalt  }
0x5e: {  	_ =	shalt  }
0x5f: {  	_ =	shalt  }
0x60: {  	_ =	shalt  }
0x61: {  	_ =	shalt  }
0x62: {  	_ =	shalt  }
0x63: {  	_ =	shalt  }
0x64: {  	_ =	shalt  }
0x65: {  	_ =	shalt  }
0x66: {  	_ =	shalt  }
0x67: {  	_ =	shalt  }
0x68: {  	_ =	shalt  }
0x69: {  	_ =	shalt  }
0x6a: {  	_ =	shalt  }
0x6b: {  	_ =	shalt  }
0x6c: {  	_ =	shalt  }
0x6d: {  	_ =	shalt  }
0x6e: {  	_ =	shalt  }
0x6f: {  	_ =	shalt  }
0x70: {  	_ =	shalt  }
0x71: {  	_ =	shalt  }
0x72: {  	_ =	shalt  }
0x73: {  	_ =	shalt  }
0x74: {  	_ =	shalt  }
0x75: {  	_ =	shalt  }
0x76: {  	_ =	shalt  }
0x77: {  	_ =	shalt  }
0x78: {  	_ =	shalt  }
0x79: {  	_ =	shalt  }
0x7a: {  	_ =	shalt  }
0x7b: {  	_ =	shalt  }
0x7c: {  	_ =	shalt  }
0x7d: {  	_ =	shalt  }
0x7e: {  	_ =	shalt  }
0x7f: {  	_ =	shalt  }
0x80: {  	_ =	shalt  }
0x81: {  	_ =	shalt  }
0x82: {  	_ =	shalt  }
0x83: {  	_ =	shalt  }
0x84: {  	_ =	shalt  }
0x85: {  	_ =	shalt  }
0x86: {  	_ =	shalt  }
0x87: {  	_ =	shalt  }
.Lfunc_end0:
.L_simem_size_0:
called_computation_lowered:
.L_overlay_start_0:
0x88: {  	s2 =	sld [smem:$0x3FD9]  }
0x89: {  	s3 =	sld [smem:$0x3FFE];
	_ =	sdelay $0x1  }
0x8a: {  	s1 =	srdreg.scid  }
0x8b: {  	s0 =	sand.u32 $0x1, s1  }
0x8c: {  	s17 =	sshll.u32 s0, $0xA;
	s2 =	sadd.s32 s3, s2  }
0x8d: {  	s2 =	sadd.s32 s2, s17  }
0x8e: {  	[smem:$0x3FBA] =	sst s2  }
0x8f: {  	_ = 	snop  }
0x90: {  	s2 =	sld [smem:$0x3FD0];
	(tm) =	ssettm $0x1  }
0x91: {  	s18 =	sld [smem:$0x3FFB];
	_ =	sdelay $0x3  }
0x92: {  	_ =	strace s18  }
0x93: {  	s3 =	sld [smem:$0x3FFC];
	_ =	sdelay $0x3  }
0x94: {  	_ =	strace s3  }
0x95: {  	s3 =	sld [smem:$0x3FFD];
	_ =	sdelay $0x3  }
0x96: {  	_ =	strace s3  }
0x97: {  	_ =	strace $0x8FFFFFFF  }
0x98: {  	s19 =	sld [smem:$0x3FDB];
	_ =	sdelay $0x1  }
0x99: {  	s4 =	simm.s32 $_scs_section_size  }
0x9a: {  	s5 =	simm.s32 $_size__tile_overlayer_lowered;
	s6 =	simm.s32 $_tile_overlayer_lowered  }
0x9b: {  	s22 =	simm.s32 $0x1BFF;
	s21 =	sshll.u32 s6, $0x1;
	s3 =	sadd.s32 s4, s19  }
0x9c: {  	s7 =	simm.s32 $0x0;
	s20 =	sshll.u32 s5, $0x1;
	s5 =	sadd.s32 s21, s3  }
0x9d: {  	[timem:s7], [sflag:s22] =	dma.local [hbm:s5], s20  }
0x9e: {  	_ =	swait.ge [sflag:s22], s20  }
0x9f: {  	s4 =	ssub.s32 $0x0, s20;
	[sflag:s22] =	ssyncset.done $0x0  }
0xa0: {  	[sflag:s22] =	ssyncadd.s32 s4;
	_ =	sdelay $0x1  }
0xa1: {  	s23 =	simm.s32 $0x1B8B  }
0xa2: {  	_ =	swait.ge [sflag:s23], $0x1  }
0xa3: {  	[sflag:s23] =	ssyncset.done $0x0  }
0xa4: {  	s25 =	simm.s32 $0x1B8E;
	s24 =	sld [smem:$0x3FFE];
	[sflag:s23] =	ssyncadd.s32 $0xFFFFFFFF  }
0xa5: {  	s26 =	simm.s32 $execute0_lowered;
	[smem:$0x3FD2] =	sst s25  }
0xa6: {  	s5 =	sshll.u32 s26, $0x1;
	_ =	strace $0x80000046;
	[dreg:$0x1] =	wrdreg $0xFFFFFFFF  }
0xa7: {  	s28 =	simm.s32 $_size_execute0_lowered;
	s3 =	sadd.s32 s3, s5;
	[dreg:$0x0] =	wrdreg $0x0  }
0xa8: {  	s5 =	sshll.u32 s28, $0x1;
	[dreg:$0x2] =	wrdreg s3  }
0xa9: {  	[dreg:$0x3] =	wrdreg s5  }
0xaa: {  	[dreg:$0x4] =	wrdreg $0xC0  }
0xab: {  	_ =	task [dreg:s7], $0x5FFFF  }
0xac: {  	[dreg:$0x1] =	wrdreg $0xFFFFFFFF  }
0xad: {  	[dreg:$0x0] =	wrdreg $0x60  }
0xae: {  	[dreg:$0x2] =	wrdreg s24  }
0xaf: {  	[dreg:$0x3] =	wrdreg s2  }
0xb0: {  	[dreg:$0x4] =	wrdreg $0x9  }
0xb1: {  	_ =	task.clear_ibuf [dreg:s7], $0x5FFFF;
	_ =	strace $0x90000046  }
0xb2: {  	s29 =	simm.s32 $0x9;
	_ =	strace $0x80000048  }
0xb3: {  	_ =	swait.ge [sflag:s29], $0x1  }
0xb4: {  	[sflag:s29] =	ssyncadd.s32 $0xFFFFFFFF  }
0xb5: {  	_ =	strace $0x90000048  }
0xb6: {  	_ =	sfence  }
0xb7: {  	s30 =	sld [smem:$0x0];
	_ =	sdelay $0x2  }
0xb8: {  	s31 =	sshll.u32 s1, $0xD;
	s1 =	sshrl.u32 s1, $0x2  }
0xb9: {  	s3 =	sand.u32 $0x4000, s31;
	s1 =	sadd.s32 s1, s30  }
0xba: {  	s0 =	sor.u32 s3, s0;
	s1 =	sshll.u32 s1, $0x11  }
0xbb: {  	s0 =	sor.u32 s1, s0  }
0xbc: {  	s0 =	sadd.s32 $0x8F2B, s0  }
0xbd: {  	[sflag:s0] =	ssyncadd.remote.s32 $0x1  }
0xbe: {  	_ =	sfence.sel $0xFFFF  }
0xbf: {  	[dreg:$0x0] =	wrdreg $0xFFFFFFFF;
	(pc) =	sbr.abs _section_cstart, $3  }
0xc0: {  	[dreg:$0x1] =	wrdreg $0xFFFFFFFF  }
0xc1: {  	_ =	task.clear_ibuf [dreg:s7], $0x2FFFF;
	_ =	strace $0x9FFFFFFF  }
0xc2: {  	(tm) =	ssettm $0x7FFFFFFF  }
0xc3: {  	_ =	shalt  }
tec
execute0_lowered:
.L_overlay_start_1:
0x0: {  	(tag) =	ssettag $0x1  }
0x1: {  	s1 =	srdreg.scid  }
0x2: {  	s0 =	stileid.u32;
	s5 =	rddreg [dreg:$0x0]  }
0x3: {  	s4 =	sand.u32 $0x1, s1;
	s28 =	sshll.u32 s0, $0x1;
	s6 =	smul.u32 $0x28, s0  }
0x4: {  	s7 =	rddreg [dreg:$0x1];
	s8 =	sor.u32 s4, s28;
	s9 =	smul.u32 $0x14, s4  }
0x5: {  	s2 =	simm.s32 $0x0;
	s1 =	rddreg [dreg:$0x2];
	s3 =	smul.u32 $0x14, s8  }
0x6: {  	[smem:$0x7FF] =	sst s2;
	s4 =	ssub.s32 $0x2, s4  }
0x7: {  	_ =	strace $0x80000047;
	s10 =	smax.u32 s3, $0x1;
	s3 =	sadd.s32 s9, s6  }
0x8: {  	s30 =	sshrl.u32 s4, $0x1;
	s31 =	smul.u32 $0x640, s8;
	s9 =	smax.u32 s3, $0x1  }
0x9: {  	p0 =	sgt.u32 s8, $0x1C;
	s29 =	smin.u32 s10, $0x22D;
	s9 =	smin.u32 s9, $0x22D  }
0xa: {  	s8 =	simm.s32 $0x1;
	s6 =	sshll.u32 s29, $0x3;
	s9 =	ssub.s32 s3, s9  }
0xb: {  	s5 =	sadd.s32 s6, s5;
	s6 =	ssub.s32 s4, s30;
	s9 =	sshll.u32 s9, $0x8  }
0xc: {  	s4 =	sadd.s32 $0x21F8, s5;
	s5 =	sadd.s32 s7, s31;
	s9 =	sshra.s32 s9, $0x2  }
0xd: {  	v0 =	vimm.f32 $0.0e+00;
	s6 =	smax.u32 s6, $0x1;
	s7 =	sadd.s32 $0x3220, s9;
	s9 =	simm.s32 $0x0  }
.LBB2_1:
0xe: {  	s10 =	simm.s32 @!p0 $0x0;
	s11 =	simm.s32 @!p0 $0x3200  }
0xf: {  	[tilespmem:s11], [sflag:$0x1] =	stream.linear.gather @!p0 [hbm4b:s4+s10], $0x500, $0x38;
	[tilespmem:$0x3700] =	vst v63  }
0x10: {  	s10 =	simm.s32 @!p0 $0x1  }
0x11: {  	_ =	swait.ge @!p0 [sflag:s10], $0x500  }
0x12: {  	[sflag:s10] =	ssyncset.done @!p0 $0x0  }
0x13: {  	[sflag:s10] =	ssyncadd.s32 @!p0 $0xFFFFFB00;
	s10 =	simm.s32 $0x0  }
.LBB2_2:
0x14: {  	p1 =	sne.s32 s10, $0xC7C0  }
.Ltmp0:
0x15: {  	_ = 	snop;
	(pc) =	sbr.rel @p1 .LBB2_2-.Ltmp0, $3  }
0x16: {  	_ =	sdelay $0x1  }
0x17: {  	s11 =	sshra.s32 s10, $0x2  }
0x18: {  	s10 =	sadd.s32 $0x40, s10;
	[tilespmem:s11+$0x0] =	vst v0  }
0x19: {  	s10 =	simm.s32 $0x1;
	s11 =	smov.u32 s7;
	s12 =	smov.u32 s3  }
.LBB2_4:
0x1a: {  	p1 =	sne.s32 s12, $0x0  }
0x1b: {  	p2 =	sgt.u32 @p1 s12, $0x240  }
0x1c: {  	p2 =	por p2, !p1  }
0x1d: {  	v1 =	vld @!p2 [tilespmem:s11+$0xFFFFFFE0];
	_ =	sdelay $0x4  }
0x1e: {  	v1 =	vadd.s32 @!p2 s10, v1;
	_ =	sdelay $0x3  }
0x1f: {  	v2 =	vimm.f32 @!p2 $1.000000000e+00;
	s13 =	simm.s32 @!p2 $0x0  }
0x20: {  	[tilespmem:v1+s13+$0x0] =	vst.idx.msk @!p2 $0xffff, v2  }
0x21: {  	v1 =	vld @!p2 [tilespmem:s11+$0xFFFFFFF0];
	_ =	sdelay $0x4  }
0x22: {  	v1 =	vadd.s32 @!p2 s10, v1;
	_ =	sdelay $0x4  }
0x23: {  	[tilespmem:v1+s13+$0x0] =	vst.idx.msk @!p2 $0xffff, v2  }
0x24: {  	v1 =	vld @!p2 [tilespmem:s11+$0x0];
	_ =	sdelay $0x4  }
0x25: {  	v1 =	vadd.s32 @!p2 s10, v1;
	_ =	sdelay $0x4  }
0x26: {  	[tilespmem:v1+s13+$0x0] =	vst.idx.msk @!p2 $0xffff, v2  }
0x27: {  	v1 =	vld @!p2 [tilespmem:s11+$0x10];
	_ =	sdelay $0x4  }
0x28: {  	v1 =	vadd.s32 @!p2 s10, v1;
	_ =	sdelay $0x4  }
0x29: {  	[tilespmem:v1+s13+$0x0] =	vst.idx.msk @!p2 $0xffff, v2;
	v1 =	vimm.f32 @!p1 $1.000000000e+00  }
0x2a: {  	[tilespmem:$0x0] =	vst @!p1 v1  }
0x2b: {  	[tilespmem:$0x10] =	vst @!p1 v1  }
0x2c: {  	[tilespmem:$0x20] =	vst @!p1 v1  }
0x2d: {  	[tilespmem:$0x30] =	vst @!p1 v1  }
0x2e: {  	[tilespmem:$0x40] =	vst @!p1 v1  }
0x2f: {  	[tilespmem:$0x50] =	vst @!p1 v1  }
0x30: {  	[tilespmem:$0x60] =	vst @!p1 v1  }
0x31: {  	[tilespmem:$0x70] =	vst @!p1 v1  }
0x32: {  	[tilespmem:$0x80] =	vst @!p1 v1  }
0x33: {  	[tilespmem:$0x90] =	vst @!p1 v1  }
0x34: {  	[tilespmem:$0xA0] =	vst @!p1 v1  }
0x35: {  	[tilespmem:$0xB0] =	vst @!p1 v1  }
0x36: {  	[tilespmem:$0xC0] =	vst @!p1 v1  }
0x37: {  	[tilespmem:$0xD0] =	vst @!p1 v1  }
0x38: {  	[tilespmem:$0xE0] =	vst @!p1 v1  }
0x39: {  	[tilespmem:$0xF0] =	vst @!p1 v1  }
0x3a: {  	[tilespmem:$0x100] =	vst @!p1 v1  }
0x3b: {  	[tilespmem:$0x110] =	vst @!p1 v1  }
0x3c: {  	[tilespmem:$0x120] =	vst @!p1 v1  }
0x3d: {  	[tilespmem:$0x130] =	vst @!p1 v1  }
0x3e: {  	[tilespmem:$0x140] =	vst @!p1 v1  }
0x3f: {  	[tilespmem:$0x150] =	vst @!p1 v1  }
0x40: {  	[tilespmem:$0x160] =	vst @!p1 v1  }
0x41: {  	[tilespmem:$0x170] =	vst @!p1 v1  }
0x42: {  	[tilespmem:$0x180] =	vst @!p1 v1  }
0x43: {  	[tilespmem:$0x190] =	vst @!p1 v1  }
0x44: {  	[tilespmem:$0x1A0] =	vst @!p1 v1  }
0x45: {  	[tilespmem:$0x1B0] =	vst @!p1 v1  }
0x46: {  	[tilespmem:$0x1C0] =	vst @!p1 v1  }
0x47: {  	[tilespmem:$0x1D0] =	vst @!p1 v1  }
0x48: {  	s10 =	sadd.s32 $0x280, s10;
	[tilespmem:$0x1E0] =	vst @!p1 v1  }
0x49: {  	p2 =	sne.s32 s10, $0x3201;
	[tilespmem:$0x1F0] =	vst @!p1 v1  }
.Ltmp1:
0x4a: {  	[tilespmem:$0x200] =	vst @!p1 v1;
	(pc) =	sbr.rel @p2 .LBB2_4-.Ltmp1, $4  }
0x4b: {  	[tilespmem:$0x210] =	vst @!p1 v1  }
0x4c: {  	vm0 =	vcmask @!p1 $0x300;
	v2 =	vimm.f32 @!p1 $0.0e+00;
	[tilespmem:$0x220] =	vst @!p1 v1  }
0x4d: {  	[tilespmem:$0x230] =	vst @!p1 v1;
	v1 =	vsel @!p1 vm0, $0x3F800000, v2  }
0x4e: {  	s12 =	sadd.s32 $0x1, s12;
	s11 =	sadd.s32 $0x40, s11;
	[tilespmem:$0x240] =	vst @!p1 v1  }
0x4f: {  	s9 =	sadd.s32 $0x1, s9  }
0x50: {  	p1 =	sne.s32 s9, s6  }
.Ltmp2:
0x51: {  	_ = 	snop;
	(pc) =	sbr.rel @p1 .LBB2_1-.Ltmp2, $4  }
0x52: {  	[hbm4b:s5+s2] =	stream.linear.scatter [tilespmem:s2], [sflag:$0x1], $0x3200, $0x38;
	[tilespmem:$0x3700] =	vst v63  }
0x53: {  	_ =	swait.ge [sflag:s8], $0x3200  }
0x54: {  	[sflag:s8] =	ssyncset.done $0x0  }
0x55: {  	[sflag:s8] =	ssyncadd.s32 $0xFFFFCE00  }
0x56: {  	_ =	sfence.sel $0x180000  }
0x57: {  	[bflag:$0x0] =	sbarrier.arrive $0xFFFF  }
0x58: {  	p0 =	sne.s32 s0, $0x0;
	_ =	strace $0x90000047  }
0x59: {  	s0 =	sadd.s32 @!p0 $0x100000, s1;
	[bflag:$0x2] =	sbarrier.arrive $0xFFFF  }
0x5a: {  	[sflag:s0] =	ssyncadd.tile.s32 @!p0 $0x1;
	_ =	shalt  }
.Lfunc_end2:
_tile_overlayer_lowered:
.L_overlay_start_2:
0x5b: {  	(tag) =	ssettag $0x2  }
0x5c: {  	s0 =	rddreg [dreg:$0x0];
	s2 =	stileid.u32  }
0x5d: {  	s1 =	rddreg [dreg:$0x1];
	p0 =	sne.s32 s2, $0x0  }
0x5e: {  	s3 =	rddreg [dreg:$0x2];
	[bflag:$0x3] =	sbarrier.arrive $0xFFFF;
	s2 =	simm.s32 @!p0 $0x1C01  }
0x5f: {  	[timem:s3], [sflag:s2] =	dma.local @!p0 [hbm:s0], s1  }
0x60: {  	s0 =	simm.s32 @!p0 $0x1  }
0x61: {  	_ =	swait.ge @!p0 [sflag:s0], s1  }
0x62: {  	s1 =	ssub.s32 @!p0 $0x0, s1;
	[sflag:s0] =	ssyncset.done @!p0 $0x0  }
0x63: {  	[sflag:s0] =	ssyncadd.s32 @!p0 s1  }
0x64: {  	[bflag:$0x3] =	sbarrier.arrive $0xFFFF  }
0x65: {  	_ =	shalt  }

</sc_bundles>
